<compile_context>
chip_gen: v7x
topology: tpu7x:2x2x1
jax: 0.10.2.dev20260603
libtpu: 0.0.44.dev20260713+nightly
codegen_flags: <defaults>
</compile_context>

<pallas_src>
import functools
import math

import jax
import jax.numpy as jnp
from jax import lax
from jax.experimental import pallas as pl
from jax.experimental.pallas import tpu as pltpu
from jax.experimental.pallas import tpu_sc as plsc

_ALPHA = 0.2


def _tile(n, target):
    best = 8
    for t in range(8, min(n, target) + 1, 8):
        if n % t == 0:
            best = t
    return best if n % 8 == 0 else n


def _sc_gather(table, idx):
    E = idx.shape[0]
    D = table.shape[1]
    info = plsc.get_sparse_core_info()
    nw = info.num_cores * info.num_subcores
    bpw = E // nw
    ch = 80
    while bpw % ch or ch % 8:
        ch -= 8
    n_it = bpw // ch
    mesh = plsc.VectorSubcoreMesh(core_axis_name="c", subcore_axis_name="s")

    @functools.partial(
        pl.kernel,
        mesh=mesh,
        out_type=jax.ShapeDtypeStruct((E, D), jnp.float32),
        scratch_types=[
            pltpu.VMEM((ch,), jnp.int32),
            pltpu.VMEM((ch,), jnp.int32),
            pltpu.VMEM((ch, D), jnp.float32),
            pltpu.VMEM((ch, D), jnp.float32),
            pltpu.SemaphoreType.DMA,
            pltpu.SemaphoreType.DMA,
        ],
    )
    def k(table_hbm, idx_hbm, out_hbm, idx0, idx1, rows0, rows1, sem0, sem1):
        wid = lax.axis_index("s") * info.num_cores + lax.axis_index("c")
        base = wid * bpw

        def pair(j, carry):
            off0 = base + (2 * j) * ch
            off1 = off0 + ch
            pltpu.sync_copy(idx_hbm.at[pl.ds(off0, ch)], idx0)
            c0 = pltpu.async_copy(table_hbm.at[idx0], rows0, sem0)
            pltpu.sync_copy(idx_hbm.at[pl.ds(off1, ch)], idx1)
            c1 = pltpu.async_copy(table_hbm.at[idx1], rows1, sem1)
            c0.wait()
            pltpu.sync_copy(rows0, out_hbm.at[pl.ds(off0, ch)])
            c1.wait()
            pltpu.sync_copy(rows1, out_hbm.at[pl.ds(off1, ch)])
            return carry

        lax.fori_loop(0, n_it // 2, pair, 0)
        if n_it % 2:
            off = base + (n_it - 1) * ch
            pltpu.sync_copy(idx_hbm.at[pl.ds(off, ch)], idx0)
            pltpu.async_copy(table_hbm.at[idx0], rows0, sem0).wait()
            pltpu.sync_copy(rows0, out_hbm.at[pl.ds(off, ch)])

    return k(table, idx)


def _users_lstm(x0, x1, wfi, wfh, bf, wbi, wbh, bb, w1jT):
    u = x0.shape[0]
    bt = _tile(u, 1024)

    def body(x0_r, x1_r, wfi_r, wfh_r, bf_r, wbi_r, wbh_r, bb_r, w1j_r,
             u_r, p_r):
        a0 = x0_r[...]
        a1 = x1_r[...]

        def cell(xt, h, c, wi, wh, b, first):
            g = xt[:, 0:1] * wi[0:1, :] + xt[:, 1:2] * wi[1:2, :] + b
            if not first:
                g = g + jnp.dot(h, wh)
            i = jax.nn.sigmoid(g[:, 0:64])
            f = jax.nn.sigmoid(g[:, 64:128])
            gg = jnp.tanh(g[:, 128:192])
            o = jax.nn.sigmoid(g[:, 192:256])
            c2 = i * gg if first else f * c + i * gg
            h2 = o * jnp.tanh(c2)
            return h2, c2

        hf1, cf1 = cell(a0, None, None, wfi_r[...], wfh_r[...], bf_r[...], True)
        hf2, _ = cell(a1, hf1, cf1, wfi_r[...], wfh_r[...], bf_r[...], False)
        hb1, cb1 = cell(a1, None, None, wbi_r[...], wbh_r[...], bb_r[...], True)
        hb2, _ = cell(a0, hb1, cb1, wbi_r[...], wbh_r[...], bb_r[...], False)
        u0 = jnp.concatenate([hf1, hb2], axis=1)
        u1 = jnp.concatenate([hf2, hb1], axis=1)
        u_r[0] = u0
        u_r[1] = u1
        w1j = w1j_r[...]
        p_r[0] = jnp.dot(u0, w1j)
        p_r[1] = jnp.dot(u1, w1j)

    full = lambda s: pl.BlockSpec(s, lambda i: (0,) * len(s))
    return pl.pallas_call(
        body,
        grid=(u // bt,),
        in_specs=[
            pl.BlockSpec((bt, 2), lambda i: (i, 0)),
            pl.BlockSpec((bt, 2), lambda i: (i, 0)),
            full((2, 256)), full((64, 256)), full((1, 256)),
            full((2, 256)), full((64, 256)), full((1, 256)),
            full((128, 128)),
        ],
        out_specs=[pl.BlockSpec((2, bt, 128), lambda i: (0, i, 0))] * 2,
        out_shape=[jax.ShapeDtypeStruct((2, u, 128), jnp.float32)] * 2,
    )(x0, x1, wfi, wfh, bf, wbi, wbh, bb, w1jT)


def _uav_encode(xu, wlT, bl, w1iT, b1, wqT, bq):
    n = xu.shape[0]
    bt = _tile(n, 512)

    def body(x_r, wl_r, bl_r, w1i_r, b1_r, wq_r, bq_r, h_r, a_r, q_r):
        xx = x_r[...]
        wl = wl_r[...]
        h = xx[:, 0:1] * wl[0:1, :] + xx[:, 1:2] * wl[1:2, :] + bl_r[...]
        h_r[...] = h
        a_r[...] = jnp.dot(h, w1i_r[...]) + b1_r[...]
        q_r[...] = jnp.dot(h, wq_r[...]) + bq_r[...]

    full = lambda s: pl.BlockSpec(s, lambda i: (0,) * len(s))
    return pl.pallas_call(
        body,
        grid=(n // bt,),
        in_specs=[
            pl.BlockSpec((bt, 2), lambda i: (i, 0)),
            full((2, 128)), full((1, 128)),
            full((128, 128)), full((1, 128)),
            full((128, 128)), full((1, 128)),
        ],
        out_specs=[pl.BlockSpec((bt, 128), lambda i: (i, 0))] * 3,
        out_shape=[jax.ShapeDtypeStruct((n, 128), jnp.float32)] * 3,
    )(xu, wlT, bl, w1iT, b1, wqT, bq)


def _edge_aggregate(gathered, A, q_row, w2T, b2, wvec, attq, cconst, deg):
    n = A.shape[0]
    g = _tile(n, 200)

    def body(u_r, a_r, q_r, w2_r, b2_r, wv_r, aq_r, cc_r, out_r):
        u3 = u_r[...].reshape(g, deg, 128)
        m1 = jax.nn.relu(u3 + a_r[...][:, None, :])
        outs = jax.nn.relu(
            jnp.dot(m1.reshape(g * deg, 128), w2_r[...]) + b2_r[...])
        lg = jnp.sum(outs * wv_r[...], axis=1).reshape(g, deg)
        qd = jnp.sum(q_r[...] * aq_r[...], axis=1, keepdims=True)
        lg = lg + qd + cc_r[...]
        lg = jnp.where(lg >= 0, lg, _ALPHA * lg)
        lg = lg - jnp.max(lg, axis=1, keepdims=True)
        e = jnp.exp(lg)
        a = e / jnp.sum(e, axis=1, keepdims=True)
        o3 = outs.reshape(g, deg, 128)
        out_r[...] = jnp.sum(a[:, :, None] * o3, axis=1) * (1.0 / deg)

    full = lambda s: pl.BlockSpec(s, lambda i: (0,) * len(s))
    return pl.pallas_call(
        body,
        grid=(n // g,),
        in_specs=[
            pl.BlockSpec((g * deg, 128), lambda i: (i, 0)),
            pl.BlockSpec((g, 128), lambda i: (i, 0)),
            pl.BlockSpec((g, 128), lambda i: (i, 0)),
            full((128, 128)), full((1, 128)), full((1, 128)),
            full((1, 128)), full((1, 1)),
        ],
        out_specs=pl.BlockSpec((g, 128), lambda i: (i, 0)),
        out_shape=jax.ShapeDtypeStruct((n, 128), jnp.float32),
    )(gathered, A, q_row, w2T, b2, wvec, attq, cconst)


def _users_update(users, w1hT, b1u, w2uT, b2u, linT, linb):
    n = users.shape[0]
    bt = _tile(n, 1024)

    def body(h_r, w1_r, b1_r, w2_r, b2_r, wl_r, bl_r, out_r):
        t = jax.nn.relu(jnp.dot(h_r[...], w1_r[...]) + b1_r[...])
        t = jax.nn.relu(jnp.dot(t, w2_r[...]) + b2_r[...])
        out_r[...] = jax.nn.sigmoid(jnp.dot(t, wl_r[...]) + bl_r[...])

    full = lambda s: pl.BlockSpec(s, lambda i: (0,) * len(s))
    return pl.pallas_call(
        body,
        grid=(n // bt,),
        in_specs=[
            pl.BlockSpec((bt, 128), lambda i: (i, 0)),
            full((128, 128)), full((1, 128)),
            full((128, 128)), full((1, 128)),
            full((128, 2)), full((1, 2)),
        ],
        out_specs=pl.BlockSpec((bt, 2), lambda i: (i, 0)),
        out_shape=jax.ShapeDtypeStruct((n, 2), jnp.float32),
    )(users, w1hT, b1u, w2uT, b2u, linT, linb)


def _uav_update(aggr, h_uav, w1aT, w1hT, b1u, w2uT, b2u, wifT, bft, wibT, bbt):
    n = aggr.shape[0]
    bt = _tile(n, 512)

    def body(a_r, h_r, w1a_r, w1h_r, b1_r, w2_r, b2_r, wf_r, bf_r, wb_r, bb_r,
             pf_r, pb_r):
        t = jax.nn.relu(
            jnp.dot(a_r[...], w1a_r[...]) + jnp.dot(h_r[...], w1h_r[...])
            + b1_r[...])
        t = jax.nn.relu(jnp.dot(t, w2_r[...]) + b2_r[...])
        pf_r[...] = jnp.dot(t, wf_r[...]) + bf_r[...]
        pb_r[...] = jnp.dot(t, wb_r[...]) + bb_r[...]

    full = lambda s: pl.BlockSpec(s, lambda i: (0,) * len(s))
    return pl.pallas_call(
        body,
        grid=(n // bt,),
        in_specs=[
            pl.BlockSpec((bt, 128), lambda i: (i, 0)),
            pl.BlockSpec((bt, 128), lambda i: (i, 0)),
            full((128, 128)), full((128, 128)), full((1, 128)),
            full((128, 128)), full((1, 128)),
            full((128, 256)), full((1, 256)),
            full((128, 256)), full((1, 256)),
        ],
        out_specs=[pl.BlockSpec((bt, 256), lambda i: (i, 0))] * 2,
        out_shape=[jax.ShapeDtypeStruct((n, 256), jnp.float32)] * 2,
    )(aggr, h_uav, w1aT, w1hT, b1u, w2uT, b2u, wifT, bft, wibT, bbt)


def _bilstm_seq(xp, wcat, unroll):
    n = xp.shape[0]
    c = _tile(n, 400)

    def body(xp_r, w_r, out_r, h_s, c_s):
        @pl.when(pl.program_id(0) == 0)
        def _():
            h_s[...] = jnp.zeros_like(h_s)
            c_s[...] = jnp.zeros_like(c_s)

        w = w_r[...]

        def step(t, hc):
            h, cc = hc
            gt = xp_r[pl.ds(t, 1), :] + jnp.dot(h, w)
            i = jax.nn.sigmoid(gt[:, 0:128])
            f = jax.nn.sigmoid(gt[:, 128:256])
            gg = jnp.tanh(gt[:, 256:384])
            o = jax.nn.sigmoid(gt[:, 384:512])
            c2 = f * cc + i * gg
            h2 = o * jnp.tanh(c2)
            out_r[pl.ds(t, 1), :] = h2
            return (h2, c2)

        h0 = h_s[0:1, :]
        c0 = c_s[0:1, :]
        hf, cf = lax.fori_loop(0, c, step, (h0, c0), unroll=unroll)
        h_s[0:1, :] = hf
        c_s[0:1, :] = cf

    full = lambda s: pl.BlockSpec(s, lambda i: (0,) * len(s))
    return pl.pallas_call(
        body,
        grid=(n // c,),
        in_specs=[
            pl.BlockSpec((c, 512), lambda i: (i, 0)),
            full((128, 512)),
        ],
        out_specs=pl.BlockSpec((c, 128), lambda i: (i, 0)),
        out_shape=jax.ShapeDtypeStruct((n, 128), jnp.float32),
        scratch_shapes=[
            pltpu.VMEM((8, 128), jnp.float32),
            pltpu.VMEM((8, 128), jnp.float32),
        ],
    )(xp, wcat)


def _uav_final(uo, linT, linb):
    n = uo.shape[0]
    bt = _tile(n, 1024)

    def body(h_r, wl_r, bl_r, out_r):
        out_r[...] = jax.nn.sigmoid(jnp.dot(h_r[...], wl_r[...]) + bl_r[...])

    full = lambda s: pl.BlockSpec(s, lambda i: (0,) * len(s))
    return pl.pallas_call(
        body,
        grid=(n // bt,),
        in_specs=[
            pl.BlockSpec((bt, 128), lambda i: (i, 0)),
            full((128, 2)), full((1, 2)),
        ],
        out_specs=pl.BlockSpec((bt, 2), lambda i: (i, 0)),
        out_shape=jax.ShapeDtypeStruct((n, 2), jnp.float32),
    )(uo, linT, linb)


def kernel(x, edge_index, params):
    p = params
    deg = 32
    E = edge_index.shape[1]
    n_uav = E // deg
    N = x.shape[0]
    u = (N - n_uav) // 2

    x0 = x[:u]
    x1 = x[u:2 * u]
    xu = x[2 * u:]
    dst = edge_index[1]

    row = lambda v: v.reshape(1, -1)

    wfi = p['users_Wih_f'].T
    wfh = p['users_Whh_f'].T
    bf = row(p['users_bih_f'] + p['users_bhh_f'])
    wbi = p['users_Wih_b'].T
    wbh = p['users_Whh_b'].T
    bb = row(p['users_bih_b'] + p['users_bhh_b'])

    w1iT = p['msg_W1'][:, :128].T
    w1jT = p['msg_W1'][:, 128:].T
    b1 = row(p['msg_b1'])

    attq = p['att_W'][0, :128]
    attr = p['att_W'][0, 128:]
    wvec = row(p['Wr_W'].T @ attr)
    cconst = (p['Wr_b'] @ attr + p['att_b'][0]).reshape(1, 1)

    users3, U3 = _users_lstm(x0, x1, wfi, wfh, bf, wbi, wbh, bb, w1jT)
    h_uav, A, q_row = _uav_encode(
        xu, p['uavlin_W'].T, row(p['uavlin_b']), w1iT, b1,
        p['Wq_W'].T, row(p['Wq_b']))

    U = U3.reshape(2 * u, 128)
    gathered = _sc_gather(U, dst)

    aggr = _edge_aggregate(gathered, A, q_row, p['msg_W2'].T, row(p['msg_b2']),
                           wvec, row(attq), cconst, deg)

    users = users3.reshape(2 * u, 128)
    out_users = _users_update(
        users, p['upd_W1'][:, 128:].T, row(p['upd_b1']),
        p['upd_W2'].T, row(p['upd_b2']), p['lin2_W'].T, row(p['lin2_b']))

    xpf, xpb = _uav_update(
        aggr, h_uav, p['upd_W1'][:, :128].T, p['upd_W1'][:, 128:].T,
        row(p['upd_b1']), p['upd_W2'].T, row(p['upd_b2']),
        p['uav_Wih_f'].T, row(p['uav_bih_f'] + p['uav_bhh_f']),
        p['uav_Wih_b'].T, row(p['uav_bih_b'] + p['uav_bhh_b']))

    xp = jnp.concatenate(
        [xpf.reshape(n_uav, 4, 64),
         jnp.flip(xpb, 0).reshape(n_uav, 4, 64)], axis=2).reshape(n_uav, 512)
    wfr = p['uav_Whh_f'].T.reshape(64, 4, 64)
    wbr = p['uav_Whh_b'].T.reshape(64, 4, 64)
    z = jnp.zeros((64, 4, 64), jnp.float32)
    wcat = jnp.concatenate(
        [jnp.concatenate([wfr, z], axis=2),
         jnp.concatenate([z, wbr], axis=2)], axis=0).reshape(128, 512)

    hout = _bilstm_seq(xp, wcat, 8)
    uo = jnp.concatenate([hout[:, :64], jnp.flip(hout[:, 64:], 0)], axis=1)
    out_uav = _uav_final(uo, p['lin2_W'].T, row(p['lin2_b']))

    return jnp.concatenate([out_users, out_uav], axis=0)

# --- scband reference (transcript-rebuilt; emitter-appended) ---
"""Pipeline reference for scband-uav-55602646614217 (READ-ONLY COPY).

The authoritative reference and input builder live on the scoring server;
editing this copy changes nothing except your own understanding.
"""

import jax, jax.numpy as jnp
import numpy as np

HID = 128
H = HID // 2
ALPHA = 0.2


def _lstm_dir(xs, Wih, Whh, bih, bhh):
    B = xs.shape[1]
    h0 = jnp.zeros((B, H), xs.dtype)
    c0 = jnp.zeros((B, H), xs.dtype)
    def step(carry, x_t):
        h, c = carry
        g = x_t @ Wih.T + h @ Whh.T + bih + bhh
        i, f, gg, o = jnp.split(g, 4, axis=-1)
        i = jax.nn.sigmoid(i)
        f = jax.nn.sigmoid(f)
        gg = jnp.tanh(gg)
        o = jax.nn.sigmoid(o)
        c2 = f * c + i * gg
        h2 = o * jnp.tanh(c2)
        return (h2, c2), h2
    _, ys = jax.lax.scan(step, (h0, c0), xs)
    return ys


def _lstm_bidir(xs, p, name):
    yf = _lstm_dir(xs, p[name + '_Wih_f'], p[name + '_Whh_f'], p[name + '_bih_f'], p[name + '_bhh_f'])
    yb = _lstm_dir(xs[::-1], p[name + '_Wih_b'], p[name + '_Whh_b'], p[name + '_bih_b'], p[name + '_bhh_b'])[::-1]
    return jnp.concatenate([yf, yb], axis=-1)


def setup_inputs(seed: int = 0):
    key = jax.random.key(seed)
    ks = iter(jax.random.split(key, 64))
    u = 45000
    n_uav = 10000
    N = 2 * u + n_uav
    deg = 32
    E = n_uav * deg
    x = jax.random.normal(next(ks), (N, 2), jnp.float32)
    src = jnp.repeat(jnp.arange(2 * u, N, dtype=jnp.int32), deg)
    dst = jax.random.randint(next(ks), (E,), 0, 2 * u, dtype=jnp.int32)
    edge_index = jnp.stack([src, dst])
    def w(shape):
        return jax.random.normal(next(ks), shape, jnp.float32) * 0.05
    p = {}
    for name, in_d in (('users', 2), ('uav', HID)):
        for d in ('f', 'b'):
            p[name + '_Wih_' + d] = w((4 * H, in_d))
            p[name + '_Whh_' + d] = w((4 * H, H))
            p[name + '_bih_' + d] = w((4 * H,))
            p[name + '_bhh_' + d] = w((4 * H,))
    p['uavlin_W'] = w((HID, 2)); p['uavlin_b'] = w((HID,))
    p['msg_W1'] = w((HID, 2 * HID)); p['msg_b1'] = w((HID,))
    p['msg_W2'] = w((HID, HID)); p['msg_b2'] = w((HID,))
    p['upd_W1'] = w((HID, 2 * HID)); p['upd_b1'] = w((HID,))
    p['upd_W2'] = w((HID, HID)); p['upd_b2'] = w((HID,))
    p['Wq_W'] = w((HID, HID)); p['Wq_b'] = w((HID,))
    p['Wr_W'] = w((HID, HID)); p['Wr_b'] = w((HID,))
    p['att_W'] = w((1, 2 * HID)); p['att_b'] = w((1,))
    p['lin2_W'] = w((2, HID)); p['lin2_b'] = w((2,))
    return {"x": x, "edge_index": edge_index, "params": p}


def _forward(x, params, edge_index, u, n_src):
    p = params
    src = edge_index[0]
    dst = edge_index[1]
    N = x.shape[0]
    # users_lstm over user pairs (seq_len=2, batch=u)
    users_in = jnp.stack([x[:u], x[u:2 * u]], axis=0)
    users = _lstm_bidir(users_in, p, 'users')
    users = jnp.concatenate([users[0], users[1]], axis=0)
    uavs = x[2 * u:] @ p['uavlin_W'].T + p['uavlin_b']
    h = jnp.concatenate([users, uavs], axis=0)
    # message passing (flow=target_to_source: i=src, j=dst, aggregate onto src)
    x_i = jnp.take(h, src, axis=0)
    x_j = jnp.take(h, dst, axis=0)
    m1 = jax.nn.relu(jnp.concatenate([x_i, x_j], axis=1) @ p['msg_W1'].T + p['msg_b1'])
    outputs = jax.nn.relu(m1 @ p['msg_W2'].T + p['msg_b2'])
    q = x_i @ p['Wq_W'].T + p['Wq_b']
    r = outputs @ p['Wr_W'].T + p['Wr_b']
    a = jnp.concatenate([q, r], axis=1) @ p['att_W'].T + p['att_b']
    a = jnp.where(a >= 0, a, ALPHA * a)
    a = jax.nn.softmax(a.reshape(n_src, -1), axis=1).reshape(-1, 1)
    weighted = a * outputs
    summed = jax.ops.segment_sum(weighted, src, num_segments=N)
    cnt = jax.ops.segment_sum(jnp.ones((src.shape[0],), x.dtype), src, num_segments=N)
    aggr = summed / jnp.maximum(cnt, 1.0)[:, None]
    # update
    xn = jax.nn.relu(jnp.concatenate([aggr, h], axis=1) @ p['upd_W1'].T + p['upd_b1'])
    xn = jax.nn.relu(xn @ p['upd_W2'].T + p['upd_b2'])
    # uav_lstm: seq_len = n_uav, batch = 1
    uav_out = _lstm_bidir(xn[2 * u:][:, None, :], p, 'uav')[:, 0, :]
    xf = jnp.concatenate([xn[:2 * u], uav_out], axis=0)
    return jax.nn.sigmoid(xf @ p['lin2_W'].T + p['lin2_b'])


def reference(x, edge_index, params):
    deg = 32
    n_src = edge_index.shape[1] // deg
    u = (x.shape[0] - n_src) // 2
    return _forward(x, params, edge_index, u, n_src)

if __name__ == "__main__":
    import jax
    _d = setup_inputs()
    print(jax.jit(kernel)(*tuple(_d.values())))

</pallas_src>

<mosaic_0001>
#map = affine_map<(d0, d1) -> (0, 0)>
#map1 = affine_map<(d0, d1) -> (0)>
module attributes {stable_mosaic.version = 14 : i64} {
  func.func @k(%arg0: i32, %arg1: i32, %arg2: memref<90000x128xf32, #tpu.memory_space<hbm>>, %arg3: memref<320000xi32, #tpu.memory_space<hbm>>, %arg4: memref<320000x128xf32, #tpu.memory_space<hbm>>, %arg5: memref<80xi32, #tpu.memory_space<vmem>>, %arg6: memref<80xi32, #tpu.memory_space<vmem>>, %arg7: memref<80x128xf32, #tpu.memory_space<vmem>>, %arg8: memref<80x128xf32, #tpu.memory_space<vmem>>, %arg9: memref<!tpu.dma_semaphore, #tpu.memory_space<semaphore_mem>>, %arg10: memref<!tpu.dma_semaphore, #tpu.memory_space<semaphore_mem>>) attributes {dimension_semantics = [#tpu.dimension_semantics<core_parallel>, #tpu.dimension_semantics<subcore_parallel>], iteration_bounds = array<i64: 2, 16>, scalar_prefetch = 0 : i64, scratch_operands = 6 : i64, tpu.core_type = #tpu.core_type<sc_vector_subcore>, window_params = [{transform_indices = #map}, {transform_indices = #map1}, {transform_indices = #map}]} {
    %mul3A = arith.constant 2 : i32
    %mul3A_0 = arith.muli %arg1, %mul3A : i32
    %add3A = arith.addi %mul3A_0, %arg0 : i32
    %mul3A_1 = arith.constant 10000 : i32
    %mul3A_2 = arith.muli %add3A, %mul3A_1 : i32
    %scan3A = arith.constant 0 : i32
    %scan3A_3 = arith.constant 0 : i32
    %scan3A_4 = arith.constant 62 : i32
    %scan3A_5 = arith.addi %scan3A_3, %scan3A_4 : i32
    %scan3A_6 = arith.constant 1 : i32
    scf.for %scan3A_14 = %scan3A_3 to %scan3A_5 step %scan3A_6  : i32 {
      %mul3A_15 = arith.constant 2 : i32
      %mul3A_16 = arith.muli %mul3A_15, %scan3A_14 : i32
      %mul3A_17 = arith.constant 80 : i32
      %mul3A_18 = arith.muli %mul3A_16, %mul3A_17 : i32
      %add3A_19 = arith.addi %mul3A_2, %mul3A_18 : i32
      %add3A_20 = arith.constant 80 : i32
      %add3A_21 = arith.addi %add3A_19, %add3A_20 : i32
      "tpu.region"() ({
        %run_scoped3A = tpu.sem_alloc : memref<!tpu.dma_semaphore, #tpu.memory_space<semaphore_mem>>
        %dma_start3A_34 = tpu.memref_slice %arg3[%add3A_19] : memref<320000xi32, #tpu.memory_space<hbm>> -> memref<80xi32, #tpu.memory_space<hbm>>
        %dma_start3A_35 = tpu.memref_slice %arg3[%add3A_19] : memref<320000xi32, #tpu.memory_space<hbm>> -> memref<80xi32, #tpu.memory_space<hbm>>
        tpu.enqueue_dma source(%dma_start3A_35 : memref<80xi32, #tpu.memory_space<hbm>>) target(%arg5 : memref<80xi32, #tpu.memory_space<vmem>>) target_semaphore(%run_scoped3A : memref<!tpu.dma_semaphore, #tpu.memory_space<semaphore_mem>>)
        %dma_wait3A_36 = tpu.memref_slice %arg3[%add3A_19] : memref<320000xi32, #tpu.memory_space<hbm>> -> memref<80xi32, #tpu.memory_space<hbm>>
        %dma_wait3A_37 = tpu.memref_slice %arg3[%add3A_19] : memref<320000xi32, #tpu.memory_space<hbm>> -> memref<80xi32, #tpu.memory_space<hbm>>
        tpu.wait_dma2 semaphore(%run_scoped3A : memref<!tpu.dma_semaphore, #tpu.memory_space<semaphore_mem>>) src(%dma_wait3A_37 : memref<80xi32, #tpu.memory_space<hbm>>) dst(%arg5 : memref<80xi32, #tpu.memory_space<vmem>>)
        tpu.yield
      }) : () -> ()
      %dma_start3A_22 = arith.constant 0 : i32
      %dma_start3A_23 = arith.constant 0 : i32
      %dma_start3A_24 = tpu.memref_slice %arg2[%dma_start3A_22, %dma_start3A_23] : memref<90000x128xf32, #tpu.memory_space<hbm>> -> memref<90000x128xf32, #tpu.memory_space<hbm>>
      tpu.enqueue_indirect_dma source(%dma_start3A_24 : memref<90000x128xf32, #tpu.memory_space<hbm>>) target(%arg7 : memref<80x128xf32, #tpu.memory_space<vmem>>) offsets(%arg5 : memref<80xi32, #tpu.memory_space<vmem>>) semaphore(%arg9 : memref<!tpu.dma_semaphore, #tpu.memory_space<semaphore_mem>>)
      "tpu.region"() ({
        %run_scoped3A = tpu.sem_alloc : memref<!tpu.dma_semaphore, #tpu.memory_space<semaphore_mem>>
        %dma_start3A_34 = tpu.memref_slice %arg3[%add3A_21] : memref<320000xi32, #tpu.memory_space<hbm>> -> memref<80xi32, #tpu.memory_space<hbm>>
        %dma_start3A_35 = tpu.memref_slice %arg3[%add3A_21] : memref<320000xi32, #tpu.memory_space<hbm>> -> memref<80xi32, #tpu.memory_space<hbm>>
        tpu.enqueue_dma source(%dma_start3A_35 : memref<80xi32, #tpu.memory_space<hbm>>) target(%arg6 : memref<80xi32, #tpu.memory_space<vmem>>) target_semaphore(%run_scoped3A : memref<!tpu.dma_semaphore, #tpu.memory_space<semaphore_mem>>)
        %dma_wait3A_36 = tpu.memref_slice %arg3[%add3A_21] : memref<320000xi32, #tpu.memory_space<hbm>> -> memref<80xi32, #tpu.memory_space<hbm>>
        %dma_wait3A_37 = tpu.memref_slice %arg3[%add3A_21] : memref<320000xi32, #tpu.memory_space<hbm>> -> memref<80xi32, #tpu.memory_space<hbm>>
        tpu.wait_dma2 semaphore(%run_scoped3A : memref<!tpu.dma_semaphore, #tpu.memory_space<semaphore_mem>>) src(%dma_wait3A_37 : memref<80xi32, #tpu.memory_space<hbm>>) dst(%arg6 : memref<80xi32, #tpu.memory_space<vmem>>)
        tpu.yield
      }) : () -> ()
      %dma_start3A_25 = arith.constant 0 : i32
      %dma_start3A_26 = arith.constant 0 : i32
      %dma_start3A_27 = tpu.memref_slice %arg2[%dma_start3A_25, %dma_start3A_26] : memref<90000x128xf32, #tpu.memory_space<hbm>> -> memref<90000x128xf32, #tpu.memory_space<hbm>>
      tpu.enqueue_indirect_dma source(%dma_start3A_27 : memref<90000x128xf32, #tpu.memory_space<hbm>>) target(%arg8 : memref<80x128xf32, #tpu.memory_space<vmem>>) offsets(%arg6 : memref<80xi32, #tpu.memory_space<vmem>>) semaphore(%arg10 : memref<!tpu.dma_semaphore, #tpu.memory_space<semaphore_mem>>)
      %dma_wait3A_28 = arith.constant 0 : i32
      %dma_wait3A_29 = arith.constant 0 : i32
      %dma_wait3A_30 = tpu.memref_slice %arg2[%dma_wait3A_28, %dma_wait3A_29] : memref<90000x128xf32, #tpu.memory_space<hbm>> -> memref<90000x128xf32, #tpu.memory_space<hbm>>
      tpu.wait_indirect_dma semaphore(%arg9 : memref<!tpu.dma_semaphore, #tpu.memory_space<semaphore_mem>>) src(%dma_wait3A_30 : memref<90000x128xf32, #tpu.memory_space<hbm>>) dst(%arg7 : memref<80x128xf32, #tpu.memory_space<vmem>>)
      "tpu.region"() ({
        %run_scoped3A = tpu.sem_alloc : memref<!tpu.dma_semaphore, #tpu.memory_space<semaphore_mem>>
        %dma_start3A_34 = arith.constant 0 : i32
        %dma_start3A_35 = tpu.memref_slice %arg4[%add3A_19, %dma_start3A_34] : memref<320000x128xf32, #tpu.memory_space<hbm>> -> memref<80x128xf32, #tpu.memory_space<hbm>>
        %dma_start3A_36 = arith.constant 0 : i32
        %dma_start3A_37 = tpu.memref_slice %arg4[%add3A_19, %dma_start3A_36] : memref<320000x128xf32, #tpu.memory_space<hbm>> -> memref<80x128xf32, #tpu.memory_space<hbm>>
        tpu.enqueue_dma source(%arg7 : memref<80x128xf32, #tpu.memory_space<vmem>>) target(%dma_start3A_37 : memref<80x128xf32, #tpu.memory_space<hbm>>) target_semaphore(%run_scoped3A : memref<!tpu.dma_semaphore, #tpu.memory_space<semaphore_mem>>)
        %dma_wait3A_38 = arith.constant 0 : i32
        %dma_wait3A_39 = tpu.memref_slice %arg4[%add3A_19, %dma_wait3A_38] : memref<320000x128xf32, #tpu.memory_space<hbm>> -> memref<80x128xf32, #tpu.memory_space<hbm>>
        %dma_wait3A_40 = arith.constant 0 : i32
        %dma_wait3A_41 = tpu.memref_slice %arg4[%add3A_19, %dma_wait3A_40] : memref<320000x128xf32, #tpu.memory_space<hbm>> -> memref<80x128xf32, #tpu.memory_space<hbm>>
        tpu.wait_dma2 semaphore(%run_scoped3A : memref<!tpu.dma_semaphore, #tpu.memory_space<semaphore_mem>>) src(%arg7 : memref<80x128xf32, #tpu.memory_space<vmem>>) dst(%dma_wait3A_41 : memref<80x128xf32, #tpu.memory_space<hbm>>)
        tpu.yield
      }) : () -> ()
      %dma_wait3A_31 = arith.constant 0 : i32
      %dma_wait3A_32 = arith.constant 0 : i32
      %dma_wait3A_33 = tpu.memref_slice %arg2[%dma_wait3A_31, %dma_wait3A_32] : memref<90000x128xf32, #tpu.memory_space<hbm>> -> memref<90000x128xf32, #tpu.memory_space<hbm>>
      tpu.wait_indirect_dma semaphore(%arg10 : memref<!tpu.dma_semaphore, #tpu.memory_space<semaphore_mem>>) src(%dma_wait3A_33 : memref<90000x128xf32, #tpu.memory_space<hbm>>) dst(%arg8 : memref<80x128xf32, #tpu.memory_space<vmem>>)
      "tpu.region"() ({
        %run_scoped3A = tpu.sem_alloc : memref<!tpu.dma_semaphore, #tpu.memory_space<semaphore_mem>>
        %dma_start3A_34 = arith.constant 0 : i32
        %dma_start3A_35 = tpu.memref_slice %arg4[%add3A_21, %dma_start3A_34] : memref<320000x128xf32, #tpu.memory_space<hbm>> -> memref<80x128xf32, #tpu.memory_space<hbm>>
        %dma_start3A_36 = arith.constant 0 : i32
        %dma_start3A_37 = tpu.memref_slice %arg4[%add3A_21, %dma_start3A_36] : memref<320000x128xf32, #tpu.memory_space<hbm>> -> memref<80x128xf32, #tpu.memory_space<hbm>>
        tpu.enqueue_dma source(%arg8 : memref<80x128xf32, #tpu.memory_space<vmem>>) target(%dma_start3A_37 : memref<80x128xf32, #tpu.memory_space<hbm>>) target_semaphore(%run_scoped3A : memref<!tpu.dma_semaphore, #tpu.memory_space<semaphore_mem>>)
        %dma_wait3A_38 = arith.constant 0 : i32
        %dma_wait3A_39 = tpu.memref_slice %arg4[%add3A_21, %dma_wait3A_38] : memref<320000x128xf32, #tpu.memory_space<hbm>> -> memref<80x128xf32, #tpu.memory_space<hbm>>
        %dma_wait3A_40 = arith.constant 0 : i32
        %dma_wait3A_41 = tpu.memref_slice %arg4[%add3A_21, %dma_wait3A_40] : memref<320000x128xf32, #tpu.memory_space<hbm>> -> memref<80x128xf32, #tpu.memory_space<hbm>>
        tpu.wait_dma2 semaphore(%run_scoped3A : memref<!tpu.dma_semaphore, #tpu.memory_space<semaphore_mem>>) src(%arg8 : memref<80x128xf32, #tpu.memory_space<vmem>>) dst(%dma_wait3A_41 : memref<80x128xf32, #tpu.memory_space<hbm>>)
        tpu.yield
      }) : () -> ()
    }
    %scan3A_7 = arith.constant 62 : i32
    %add3A_8 = arith.constant 9920 : i32
    %add3A_9 = arith.addi %mul3A_2, %add3A_8 : i32
    "tpu.region"() ({
      %run_scoped3A = tpu.sem_alloc : memref<!tpu.dma_semaphore, #tpu.memory_space<semaphore_mem>>
      %dma_start3A_14 = tpu.memref_slice %arg3[%add3A_9] : memref<320000xi32, #tpu.memory_space<hbm>> -> memref<80xi32, #tpu.memory_space<hbm>>
      %dma_start3A_15 = tpu.memref_slice %arg3[%add3A_9] : memref<320000xi32, #tpu.memory_space<hbm>> -> memref<80xi32, #tpu.memory_space<hbm>>
      tpu.enqueue_dma source(%dma_start3A_15 : memref<80xi32, #tpu.memory_space<hbm>>) target(%arg5 : memref<80xi32, #tpu.memory_space<vmem>>) target_semaphore(%run_scoped3A : memref<!tpu.dma_semaphore, #tpu.memory_space<semaphore_mem>>)
      %dma_wait3A_16 = tpu.memref_slice %arg3[%add3A_9] : memref<320000xi32, #tpu.memory_space<hbm>> -> memref<80xi32, #tpu.memory_space<hbm>>
      %dma_wait3A_17 = tpu.memref_slice %arg3[%add3A_9] : memref<320000xi32, #tpu.memory_space<hbm>> -> memref<80xi32, #tpu.memory_space<hbm>>
      tpu.wait_dma2 semaphore(%run_scoped3A : memref<!tpu.dma_semaphore, #tpu.memory_space<semaphore_mem>>) src(%dma_wait3A_17 : memref<80xi32, #tpu.memory_space<hbm>>) dst(%arg5 : memref<80xi32, #tpu.memory_space<vmem>>)
      tpu.yield
    }) : () -> ()
    %dma_start3A = arith.constant 0 : i32
    %dma_start3A_10 = arith.constant 0 : i32
    %dma_start3A_11 = tpu.memref_slice %arg2[%dma_start3A, %dma_start3A_10] : memref<90000x128xf32, #tpu.memory_space<hbm>> -> memref<90000x128xf32, #tpu.memory_space<hbm>>
    tpu.enqueue_indirect_dma source(%dma_start3A_11 : memref<90000x128xf32, #tpu.memory_space<hbm>>) target(%arg7 : memref<80x128xf32, #tpu.memory_space<vmem>>) offsets(%arg5 : memref<80xi32, #tpu.memory_space<vmem>>) semaphore(%arg9 : memref<!tpu.dma_semaphore, #tpu.memory_space<semaphore_mem>>)
    %dma_wait3A = arith.constant 0 : i32
    %dma_wait3A_12 = arith.constant 0 : i32
    %dma_wait3A_13 = tpu.memref_slice %arg2[%dma_wait3A, %dma_wait3A_12] : memref<90000x128xf32, #tpu.memory_space<hbm>> -> memref<90000x128xf32, #tpu.memory_space<hbm>>
    tpu.wait_indirect_dma semaphore(%arg9 : memref<!tpu.dma_semaphore, #tpu.memory_space<semaphore_mem>>) src(%dma_wait3A_13 : memref<90000x128xf32, #tpu.memory_space<hbm>>) dst(%arg7 : memref<80x128xf32, #tpu.memory_space<vmem>>)
    "tpu.region"() ({
      %run_scoped3A = tpu.sem_alloc : memref<!tpu.dma_semaphore, #tpu.memory_space<semaphore_mem>>
      %dma_start3A_14 = arith.constant 0 : i32
      %dma_start3A_15 = tpu.memref_slice %arg4[%add3A_9, %dma_start3A_14] : memref<320000x128xf32, #tpu.memory_space<hbm>> -> memref<80x128xf32, #tpu.memory_space<hbm>>
      %dma_start3A_16 = arith.constant 0 : i32
      %dma_start3A_17 = tpu.memref_slice %arg4[%add3A_9, %dma_start3A_16] : memref<320000x128xf32, #tpu.memory_space<hbm>> -> memref<80x128xf32, #tpu.memory_space<hbm>>
      tpu.enqueue_dma source(%arg7 : memref<80x128xf32, #tpu.memory_space<vmem>>) target(%dma_start3A_17 : memref<80x128xf32, #tpu.memory_space<hbm>>) target_semaphore(%run_scoped3A : memref<!tpu.dma_semaphore, #tpu.memory_space<semaphore_mem>>)
      %dma_wait3A_18 = arith.constant 0 : i32
      %dma_wait3A_19 = tpu.memref_slice %arg4[%add3A_9, %dma_wait3A_18] : memref<320000x128xf32, #tpu.memory_space<hbm>> -> memref<80x128xf32, #tpu.memory_space<hbm>>
      %dma_wait3A_20 = arith.constant 0 : i32
      %dma_wait3A_21 = tpu.memref_slice %arg4[%add3A_9, %dma_wait3A_20] : memref<320000x128xf32, #tpu.memory_space<hbm>> -> memref<80x128xf32, #tpu.memory_space<hbm>>
      tpu.wait_dma2 semaphore(%run_scoped3A : memref<!tpu.dma_semaphore, #tpu.memory_space<semaphore_mem>>) src(%arg7 : memref<80x128xf32, #tpu.memory_space<vmem>>) dst(%dma_wait3A_21 : memref<80x128xf32, #tpu.memory_space<hbm>>)
      tpu.yield
    }) : () -> ()
    return
  }
}

module attributes {stable_mosaic.version = 14 : i64} {
  func.func @body(%arg0: i32, %arg1: memref<1000x2xf32, #tpu.memory_space<vmem>>, %arg2: memref<1000x2xf32, #tpu.memory_space<vmem>>, %arg3: memref<2x256xf32, #tpu.memory_space<vmem>>, %arg4: memref<64x256xf32, #tpu.memory_space<vmem>>, %arg5: memref<1x256xf32, #tpu.memory_space<vmem>>, %arg6: memref<2x256xf32, #tpu.memory_space<vmem>>, %arg7: memref<64x256xf32, #tpu.memory_space<vmem>>, %arg8: memref<1x256xf32, #tpu.memory_space<vmem>>, %arg9: memref<128x128xf32, #tpu.memory_space<vmem>>, %arg10: memref<2x1000x128xf32, #tpu.memory_space<vmem>>, %arg11: memref<2x1000x128xf32, #tpu.memory_space<vmem>>) attributes {dimension_semantics = [#tpu.dimension_semantics<arbitrary>], iteration_bounds = array<i64: 45>, scalar_prefetch = 0 : i64, scratch_operands = 0 : i64, tpu.core_type = #tpu.core_type<tc>, window_params = [{transform_indices = @transform_0, window_bounds = array<i64: 1000, 2>}, {transform_indices = @transform_1, window_bounds = array<i64: 1000, 2>}, {pipeline_mode = #tpu.pipeline_mode<synchronous>, transform_indices = @transform_2, window_bounds = array<i64: 2, 256>}, {pipeline_mode = #tpu.pipeline_mode<synchronous>, transform_indices = @transform_3, window_bounds = array<i64: 64, 256>}, {pipeline_mode = #tpu.pipeline_mode<synchronous>, transform_indices = @transform_4, window_bounds = array<i64: 1, 256>}, {pipeline_mode = #tpu.pipeline_mode<synchronous>, transform_indices = @transform_5, window_bounds = array<i64: 2, 256>}, {pipeline_mode = #tpu.pipeline_mode<synchronous>, transform_indices = @transform_6, window_bounds = array<i64: 64, 256>}, {pipeline_mode = #tpu.pipeline_mode<synchronous>, transform_indices = @transform_7, window_bounds = array<i64: 1, 256>}, {pipeline_mode = #tpu.pipeline_mode<synchronous>, transform_indices = @transform_8, window_bounds = array<i64: 128, 128>}, {transform_indices = @transform_9, window_bounds = array<i64: 2, 1000, 128>}, {transform_indices = @transform_10, window_bounds = array<i64: 2, 1000, 128>}]} {
    %get3A = arith.constant 0 : index
    %get3A_0 = arith.constant 0 : index
    %get3A_1 = vector.load %arg1[%get3A, %get3A_0] : memref<1000x2xf32, #tpu.memory_space<vmem>>, vector<1000x2xf32>
    %get3A_2 = arith.constant 0 : index
    %get3A_3 = arith.constant 0 : index
    %get3A_4 = vector.load %arg2[%get3A_2, %get3A_3] : memref<1000x2xf32, #tpu.memory_space<vmem>>, vector<1000x2xf32>
    %get3A_5 = arith.constant 0 : index
    %get3A_6 = arith.constant 0 : index
    %get3A_7 = vector.load %arg3[%get3A_5, %get3A_6] : memref<2x256xf32, #tpu.memory_space<vmem>>, vector<2x256xf32>
    %get3A_8 = arith.constant 0 : index
    %get3A_9 = arith.constant 0 : index
    %get3A_10 = vector.load %arg5[%get3A_8, %get3A_9] : memref<1x256xf32, #tpu.memory_space<vmem>>, vector<1x256xf32>
    %slice3A = vector.extract_strided_slice %get3A_1 {offsets = [0, 0], sizes = [1000, 1], strides = [1, 1]} : vector<1000x2xf32> to vector<1000x1xf32>
    %slice3A_11 = vector.extract_strided_slice %get3A_7 {offsets = [0, 0], sizes = [1, 256], strides = [1, 1]} : vector<2x256xf32> to vector<1x256xf32>
    %mul3A = vector.broadcast %slice3A : vector<1000x1xf32> to vector<1000x256xf32>
    %mul3A_12 = vector.broadcast %slice3A_11 : vector<1x256xf32> to vector<1000x256xf32>
    %mul3A_13 = arith.mulf %mul3A, %mul3A_12 : vector<1000x256xf32>
    %slice3A_14 = vector.extract_strided_slice %get3A_1 {offsets = [0, 1], sizes = [1000, 1], strides = [1, 1]} : vector<1000x2xf32> to vector<1000x1xf32>
    %slice3A_15 = vector.extract_strided_slice %get3A_7 {offsets = [1, 0], sizes = [1, 256], strides = [1, 1]} : vector<2x256xf32> to vector<1x256xf32>
    %mul3A_16 = vector.broadcast %slice3A_14 : vector<1000x1xf32> to vector<1000x256xf32>
    %mul3A_17 = vector.broadcast %slice3A_15 : vector<1x256xf32> to vector<1000x256xf32>
    %mul3A_18 = arith.mulf %mul3A_16, %mul3A_17 : vector<1000x256xf32>
    %add3A = arith.addf %mul3A_13, %mul3A_18 : vector<1000x256xf32>
    %add3A_19 = vector.broadcast %get3A_10 : vector<1x256xf32> to vector<1000x256xf32>
    %add3A_20 = arith.addf %add3A, %add3A_19 : vector<1000x256xf32>
    %slice3A_21 = vector.extract_strided_slice %add3A_20 {offsets = [0, 0], sizes = [1000, 64], strides = [1, 1]} : vector<1000x256xf32> to vector<1000x64xf32>
    %logistic3A = arith.negf %slice3A_21 : vector<1000x64xf32>
    %logistic3A_22 = math.exp %logistic3A : vector<1000x64xf32>
    %logistic3A_23 = arith.constant 1.000000e+00 : f32
    %logistic3A_24 = vector.broadcast %logistic3A_23 : f32 to vector<1000x64xf32>
    %logistic3A_25 = arith.addf %logistic3A_24, %logistic3A_22 : vector<1000x64xf32>
    %logistic3A_26 = arith.divf %logistic3A_24, %logistic3A_25 : vector<1000x64xf32>
    %slice3A_27 = vector.extract_strided_slice %add3A_20 {offsets = [0, 128], sizes = [1000, 64], strides = [1, 1]} : vector<1000x256xf32> to vector<1000x64xf32>
    %tanh3A = math.tanh %slice3A_27 : vector<1000x64xf32>
    %slice3A_28 = vector.extract_strided_slice %add3A_20 {offsets = [0, 192], sizes = [1000, 64], strides = [1, 1]} : vector<1000x256xf32> to vector<1000x64xf32>
    %logistic3A_29 = arith.negf %slice3A_28 : vector<1000x64xf32>
    %logistic3A_30 = math.exp %logistic3A_29 : vector<1000x64xf32>
    %logistic3A_31 = arith.constant 1.000000e+00 : f32
    %logistic3A_32 = vector.broadcast %logistic3A_31 : f32 to vector<1000x64xf32>
    %logistic3A_33 = arith.addf %logistic3A_32, %logistic3A_30 : vector<1000x64xf32>
    %logistic3A_34 = arith.divf %logistic3A_32, %logistic3A_33 : vector<1000x64xf32>
    %mul3A_35 = arith.mulf %logistic3A_26, %tanh3A : vector<1000x64xf32>
    %tanh3A_36 = math.tanh %mul3A_35 : vector<1000x64xf32>
    %mul3A_37 = arith.mulf %logistic3A_34, %tanh3A_36 : vector<1000x64xf32>
    %get3A_38 = arith.constant 0 : index
    %get3A_39 = arith.constant 0 : index
    %get3A_40 = vector.load %arg3[%get3A_38, %get3A_39] : memref<2x256xf32, #tpu.memory_space<vmem>>, vector<2x256xf32>
    %get3A_41 = arith.constant 0 : index
    %get3A_42 = arith.constant 0 : index
    %get3A_43 = vector.load %arg4[%get3A_41, %get3A_42] : memref<64x256xf32, #tpu.memory_space<vmem>>, vector<64x256xf32>
    %get3A_44 = arith.constant 0 : index
    %get3A_45 = arith.constant 0 : index
    %get3A_46 = vector.load %arg5[%get3A_44, %get3A_45] : memref<1x256xf32, #tpu.memory_space<vmem>>, vector<1x256xf32>
    %slice3A_47 = vector.extract_strided_slice %get3A_4 {offsets = [0, 0], sizes = [1000, 1], strides = [1, 1]} : vector<1000x2xf32> to vector<1000x1xf32>
    %slice3A_48 = vector.extract_strided_slice %get3A_40 {offsets = [0, 0], sizes = [1, 256], strides = [1, 1]} : vector<2x256xf32> to vector<1x256xf32>
    %mul3A_49 = vector.broadcast %slice3A_47 : vector<1000x1xf32> to vector<1000x256xf32>
    %mul3A_50 = vector.broadcast %slice3A_48 : vector<1x256xf32> to vector<1000x256xf32>
    %mul3A_51 = arith.mulf %mul3A_49, %mul3A_50 : vector<1000x256xf32>
    %slice3A_52 = vector.extract_strided_slice %get3A_4 {offsets = [0, 1], sizes = [1000, 1], strides = [1, 1]} : vector<1000x2xf32> to vector<1000x1xf32>
    %slice3A_53 = vector.extract_strided_slice %get3A_40 {offsets = [1, 0], sizes = [1, 256], strides = [1, 1]} : vector<2x256xf32> to vector<1x256xf32>
    %mul3A_54 = vector.broadcast %slice3A_52 : vector<1000x1xf32> to vector<1000x256xf32>
    %mul3A_55 = vector.broadcast %slice3A_53 : vector<1x256xf32> to vector<1000x256xf32>
    %mul3A_56 = arith.mulf %mul3A_54, %mul3A_55 : vector<1000x256xf32>
    %add3A_57 = arith.addf %mul3A_51, %mul3A_56 : vector<1000x256xf32>
    %add3A_58 = vector.broadcast %get3A_46 : vector<1x256xf32> to vector<1000x256xf32>
    %add3A_59 = arith.addf %add3A_57, %add3A_58 : vector<1000x256xf32>
    %dot_general3A = arith.constant dense<0.000000e+00> : vector<1000x256xf32>
    %dot_general3A_60 = tpu.matmul %mul3A_37, %get3A_43, %dot_general3A {dimension_numbers = #tpu.dot_dimension_numbers<[1], [0], [0], [1], [0, 0, 1, 1], [], []>, transpose_lhs_hint = false} : vector<1000x64xf32>, vector<64x256xf32>, vector<1000x256xf32> -> vector<1000x256xf32>
    %add3A_61 = arith.addf %add3A_59, %dot_general3A_60 : vector<1000x256xf32>
    %slice3A_62 = vector.extract_strided_slice %add3A_61 {offsets = [0, 0], sizes = [1000, 64], strides = [1, 1]} : vector<1000x256xf32> to vector<1000x64xf32>
    %logistic3A_63 = arith.negf %slice3A_62 : vector<1000x64xf32>
    %logistic3A_64 = math.exp %logistic3A_63 : vector<1000x64xf32>
    %logistic3A_65 = arith.constant 1.000000e+00 : f32
    %logistic3A_66 = vector.broadcast %logistic3A_65 : f32 to vector<1000x64xf32>
    %logistic3A_67 = arith.addf %logistic3A_66, %logistic3A_64 : vector<1000x64xf32>
    %logistic3A_68 = arith.divf %logistic3A_66, %logistic3A_67 : vector<1000x64xf32>
    %slice3A_69 = vector.extract_strided_slice %add3A_61 {offsets = [0, 64], sizes = [1000, 64], strides = [1, 1]} : vector<1000x256xf32> to vector<1000x64xf32>
    %logistic3A_70 = arith.negf %slice3A_69 : vector<1000x64xf32>
    %logistic3A_71 = math.exp %logistic3A_70 : vector<1000x64xf32>
    %logistic3A_72 = arith.constant 1.000000e+00 : f32
    %logistic3A_73 = vector.broadcast %logistic3A_72 : f32 to vector<1000x64xf32>
    %logistic3A_74 = arith.addf %logistic3A_73, %logistic3A_71 : vector<1000x64xf32>
    %logistic3A_75 = arith.divf %logistic3A_73, %logistic3A_74 : vector<1000x64xf32>
    %slice3A_76 = vector.extract_strided_slice %add3A_61 {offsets = [0, 128], sizes = [1000, 64], strides = [1, 1]} : vector<1000x256xf32> to vector<1000x64xf32>
    %tanh3A_77 = math.tanh %slice3A_76 : vector<1000x64xf32>
    %slice3A_78 = vector.extract_strided_slice %add3A_61 {offsets = [0, 192], sizes = [1000, 64], strides = [1, 1]} : vector<1000x256xf32> to vector<1000x64xf32>
    %logistic3A_79 = arith.negf %slice3A_78 : vector<1000x64xf32>
    %logistic3A_80 = math.exp %logistic3A_79 : vector<1000x64xf32>
    %logistic3A_81 = arith.constant 1.000000e+00 : f32
    %logistic3A_82 = vector.broadcast %logistic3A_81 : f32 to vector<1000x64xf32>
    %logistic3A_83 = arith.addf %logistic3A_82, %logistic3A_80 : vector<1000x64xf32>
    %logistic3A_84 = arith.divf %logistic3A_82, %logistic3A_83 : vector<1000x64xf32>
    %mul3A_85 = arith.mulf %logistic3A_75, %mul3A_35 : vector<1000x64xf32>
    %mul3A_86 = arith.mulf %logistic3A_68, %tanh3A_77 : vector<1000x64xf32>
    %add3A_87 = arith.addf %mul3A_85, %mul3A_86 : vector<1000x64xf32>
    %tanh3A_88 = math.tanh %add3A_87 : vector<1000x64xf32>
    %mul3A_89 = arith.mulf %logistic3A_84, %tanh3A_88 : vector<1000x64xf32>
    %get3A_90 = arith.constant 0 : index
    %get3A_91 = arith.constant 0 : index
    %get3A_92 = vector.load %arg6[%get3A_90, %get3A_91] : memref<2x256xf32, #tpu.memory_space<vmem>>, vector<2x256xf32>
    %get3A_93 = arith.constant 0 : index
    %get3A_94 = arith.constant 0 : index
    %get3A_95 = vector.load %arg8[%get3A_93, %get3A_94] : memref<1x256xf32, #tpu.memory_space<vmem>>, vector<1x256xf32>
    %slice3A_96 = vector.extract_strided_slice %get3A_4 {offsets = [0, 0], sizes = [1000, 1], strides = [1, 1]} : vector<1000x2xf32> to vector<1000x1xf32>
    %slice3A_97 = vector.extract_strided_slice %get3A_92 {offsets = [0, 0], sizes = [1, 256], strides = [1, 1]} : vector<2x256xf32> to vector<1x256xf32>
    %mul3A_98 = vector.broadcast %slice3A_96 : vector<1000x1xf32> to vector<1000x256xf32>
    %mul3A_99 = vector.broadcast %slice3A_97 : vector<1x256xf32> to vector<1000x256xf32>
    %mul3A_100 = arith.mulf %mul3A_98, %mul3A_99 : vector<1000x256xf32>
    %slice3A_101 = vector.extract_strided_slice %get3A_4 {offsets = [0, 1], sizes = [1000, 1], strides = [1, 1]} : vector<1000x2xf32> to vector<1000x1xf32>
    %slice3A_102 = vector.extract_strided_slice %get3A_92 {offsets = [1, 0], sizes = [1, 256], strides = [1, 1]} : vector<2x256xf32> to vector<1x256xf32>
    %mul3A_103 = vector.broadcast %slice3A_101 : vector<1000x1xf32> to vector<1000x256xf32>
    %mul3A_104 = vector.broadcast %slice3A_102 : vector<1x256xf32> to vector<1000x256xf32>
    %mul3A_105 = arith.mulf %mul3A_103, %mul3A_104 : vector<1000x256xf32>
    %add3A_106 = arith.addf %mul3A_100, %mul3A_105 : vector<1000x256xf32>
    %add3A_107 = vector.broadcast %get3A_95 : vector<1x256xf32> to vector<1000x256xf32>
    %add3A_108 = arith.addf %add3A_106, %add3A_107 : vector<1000x256xf32>
    %slice3A_109 = vector.extract_strided_slice %add3A_108 {offsets = [0, 0], sizes = [1000, 64], strides = [1, 1]} : vector<1000x256xf32> to vector<1000x64xf32>
    %logistic3A_110 = arith.negf %slice3A_109 : vector<1000x64xf32>
    %logistic3A_111 = math.exp %logistic3A_110 : vector<1000x64xf32>
    %logistic3A_112 = arith.constant 1.000000e+00 : f32
    %logistic3A_113 = vector.broadcast %logistic3A_112 : f32 to vector<1000x64xf32>
    %logistic3A_114 = arith.addf %logistic3A_113, %logistic3A_111 : vector<1000x64xf32>
    %logistic3A_115 = arith.divf %logistic3A_113, %logistic3A_114 : vector<1000x64xf32>
    %slice3A_116 = vector.extract_strided_slice %add3A_108 {offsets = [0, 128], sizes = [1000, 64], strides = [1, 1]} : vector<1000x256xf32> to vector<1000x64xf32>
    %tanh3A_117 = math.tanh %slice3A_116 : vector<1000x64xf32>
    %slice3A_118 = vector.extract_strided_slice %add3A_108 {offsets = [0, 192], sizes = [1000, 64], strides = [1, 1]} : vector<1000x256xf32> to vector<1000x64xf32>
    %logistic3A_119 = arith.negf %slice3A_118 : vector<1000x64xf32>
    %logistic3A_120 = math.exp %logistic3A_119 : vector<1000x64xf32>
    %logistic3A_121 = arith.constant 1.000000e+00 : f32
    %logistic3A_122 = vector.broadcast %logistic3A_121 : f32 to vector<1000x64xf32>
    %logistic3A_123 = arith.addf %logistic3A_122, %logistic3A_120 : vector<1000x64xf32>
    %logistic3A_124 = arith.divf %logistic3A_122, %logistic3A_123 : vector<1000x64xf32>
    %mul3A_125 = arith.mulf %logistic3A_115, %tanh3A_117 : vector<1000x64xf32>
    %tanh3A_126 = math.tanh %mul3A_125 : vector<1000x64xf32>
    %mul3A_127 = arith.mulf %logistic3A_124, %tanh3A_126 : vector<1000x64xf32>
    %get3A_128 = arith.constant 0 : index
    %get3A_129 = arith.constant 0 : index
    %get3A_130 = vector.load %arg6[%get3A_128, %get3A_129] : memref<2x256xf32, #tpu.memory_space<vmem>>, vector<2x256xf32>
    %get3A_131 = arith.constant 0 : index
    %get3A_132 = arith.constant 0 : index
    %get3A_133 = vector.load %arg7[%get3A_131, %get3A_132] : memref<64x256xf32, #tpu.memory_space<vmem>>, vector<64x256xf32>
    %get3A_134 = arith.constant 0 : index
    %get3A_135 = arith.constant 0 : index
    %get3A_136 = vector.load %arg8[%get3A_134, %get3A_135] : memref<1x256xf32, #tpu.memory_space<vmem>>, vector<1x256xf32>
    %slice3A_137 = vector.extract_strided_slice %get3A_1 {offsets = [0, 0], sizes = [1000, 1], strides = [1, 1]} : vector<1000x2xf32> to vector<1000x1xf32>
    %slice3A_138 = vector.extract_strided_slice %get3A_130 {offsets = [0, 0], sizes = [1, 256], strides = [1, 1]} : vector<2x256xf32> to vector<1x256xf32>
    %mul3A_139 = vector.broadcast %slice3A_137 : vector<1000x1xf32> to vector<1000x256xf32>
    %mul3A_140 = vector.broadcast %slice3A_138 : vector<1x256xf32> to vector<1000x256xf32>
    %mul3A_141 = arith.mulf %mul3A_139, %mul3A_140 : vector<1000x256xf32>
    %slice3A_142 = vector.extract_strided_slice %get3A_1 {offsets = [0, 1], sizes = [1000, 1], strides = [1, 1]} : vector<1000x2xf32> to vector<1000x1xf32>
    %slice3A_143 = vector.extract_strided_slice %get3A_130 {offsets = [1, 0], sizes = [1, 256], strides = [1, 1]} : vector<2x256xf32> to vector<1x256xf32>
    %mul3A_144 = vector.broadcast %slice3A_142 : vector<1000x1xf32> to vector<1000x256xf32>
    %mul3A_145 = vector.broadcast %slice3A_143 : vector<1x256xf32> to vector<1000x256xf32>
    %mul3A_146 = arith.mulf %mul3A_144, %mul3A_145 : vector<1000x256xf32>
    %add3A_147 = arith.addf %mul3A_141, %mul3A_146 : vector<1000x256xf32>
    %add3A_148 = vector.broadcast %get3A_136 : vector<1x256xf32> to vector<1000x256xf32>
    %add3A_149 = arith.addf %add3A_147, %add3A_148 : vector<1000x256xf32>
    %dot_general3A_150 = arith.constant dense<0.000000e+00> : vector<1000x256xf32>
    %dot_general3A_151 = tpu.matmul %mul3A_127, %get3A_133, %dot_general3A_150 {dimension_numbers = #tpu.dot_dimension_numbers<[1], [0], [0], [1], [0, 0, 1, 1], [], []>, transpose_lhs_hint = false} : vector<1000x64xf32>, vector<64x256xf32>, vector<1000x256xf32> -> vector<1000x256xf32>
    %add3A_152 = arith.addf %add3A_149, %dot_general3A_151 : vector<1000x256xf32>
    %slice3A_153 = vector.extract_strided_slice %add3A_152 {offsets = [0, 0], sizes = [1000, 64], strides = [1, 1]} : vector<1000x256xf32> to vector<1000x64xf32>
    %logistic3A_154 = arith.negf %slice3A_153 : vector<1000x64xf32>
    %logistic3A_155 = math.exp %logistic3A_154 : vector<1000x64xf32>
    %logistic3A_156 = arith.constant 1.000000e+00 : f32
    %logistic3A_157 = vector.broadcast %logistic3A_156 : f32 to vector<1000x64xf32>
    %logistic3A_158 = arith.addf %logistic3A_157, %logistic3A_155 : vector<1000x64xf32>
    %logistic3A_159 = arith.divf %logistic3A_157, %logistic3A_158 : vector<1000x64xf32>
    %slice3A_160 = vector.extract_strided_slice %add3A_152 {offsets = [0, 64], sizes = [1000, 64], strides = [1, 1]} : vector<1000x256xf32> to vector<1000x64xf32>
    %logistic3A_161 = arith.negf %slice3A_160 : vector<1000x64xf32>
    %logistic3A_162 = math.exp %logistic3A_161 : vector<1000x64xf32>
    %logistic3A_163 = arith.constant 1.000000e+00 : f32
    %logistic3A_164 = vector.broadcast %logistic3A_163 : f32 to vector<1000x64xf32>
    %logistic3A_165 = arith.addf %logistic3A_164, %logistic3A_162 : vector<1000x64xf32>
    %logistic3A_166 = arith.divf %logistic3A_164, %logistic3A_165 : vector<1000x64xf32>
    %slice3A_167 = vector.extract_strided_slice %add3A_152 {offsets = [0, 128], sizes = [1000, 64], strides = [1, 1]} : vector<1000x256xf32> to vector<1000x64xf32>
    %tanh3A_168 = math.tanh %slice3A_167 : vector<1000x64xf32>
    %slice3A_169 = vector.extract_strided_slice %add3A_152 {offsets = [0, 192], sizes = [1000, 64], strides = [1, 1]} : vector<1000x256xf32> to vector<1000x64xf32>
    %logistic3A_170 = arith.negf %slice3A_169 : vector<1000x64xf32>
    %logistic3A_171 = math.exp %logistic3A_170 : vector<1000x64xf32>
    %logistic3A_172 = arith.constant 1.000000e+00 : f32
    %logistic3A_173 = vector.broadcast %logistic3A_172 : f32 to vector<1000x64xf32>
    %logistic3A_174 = arith.addf %logistic3A_173, %logistic3A_171 : vector<1000x64xf32>
    %logistic3A_175 = arith.divf %logistic3A_173, %logistic3A_174 : vector<1000x64xf32>
    %mul3A_176 = arith.mulf %logistic3A_166, %mul3A_125 : vector<1000x64xf32>
    %mul3A_177 = arith.mulf %logistic3A_159, %tanh3A_168 : vector<1000x64xf32>
    %add3A_178 = arith.addf %mul3A_176, %mul3A_177 : vector<1000x64xf32>
    %tanh3A_179 = math.tanh %add3A_178 : vector<1000x64xf32>
    %mul3A_180 = arith.mulf %logistic3A_175, %tanh3A_179 : vector<1000x64xf32>
    %concatenate3A = tpu.concatenate %mul3A_37, %mul3A_180 in 1 : vector<1000x64xf32>, vector<1000x64xf32> -> vector<1000x128xf32>
    %concatenate3A_181 = tpu.concatenate %mul3A_89, %mul3A_127 in 1 : vector<1000x64xf32>, vector<1000x64xf32> -> vector<1000x128xf32>
    %swap3A = arith.constant 0 : index
    %swap3A_182 = arith.constant 0 : index
    %swap3A_183 = arith.constant 0 : index
    %swap3A_184 = vector.load %arg10[%swap3A, %swap3A_182, %swap3A_183] : memref<2x1000x128xf32, #tpu.memory_space<vmem>>, vector<1x1000x128xf32>
    %swap3A_185 = vector.shape_cast %swap3A_184 : vector<1x1000x128xf32> to vector<1000x128xf32>
    %swap3A_186 = vector.shape_cast %concatenate3A : vector<1000x128xf32> to vector<1x1000x128xf32>
    tpu.vector_store %arg10[%swap3A, %swap3A_182, %swap3A_183], %swap3A_186 {strides = array<i32>} : memref<2x1000x128xf32, #tpu.memory_space<vmem>>, vector<1x1000x128xf32>,
    %swap3A_187 = arith.constant 1 : index
    %swap3A_188 = arith.constant 0 : index
    %swap3A_189 = arith.constant 0 : index
    %swap3A_190 = vector.load %arg10[%swap3A_187, %swap3A_188, %swap3A_189] : memref<2x1000x128xf32, #tpu.memory_space<vmem>>, vector<1x1000x128xf32>
    %swap3A_191 = vector.shape_cast %swap3A_190 : vector<1x1000x128xf32> to vector<1000x128xf32>
    %swap3A_192 = vector.shape_cast %concatenate3A_181 : vector<1000x128xf32> to vector<1x1000x128xf32>
    tpu.vector_store %arg10[%swap3A_187, %swap3A_188, %swap3A_189], %swap3A_192 {strides = array<i32>} : memref<2x1000x128xf32, #tpu.memory_space<vmem>>, vector<1x1000x128xf32>,
    %get3A_193 = arith.constant 0 : index
    %get3A_194 = arith.constant 0 : index
    %get3A_195 = vector.load %arg9[%get3A_193, %get3A_194] : memref<128x128xf32, #tpu.memory_space<vmem>>, vector<128x128xf32>
    %dot_general3A_196 = arith.constant dense<0.000000e+00> : vector<1000x128xf32>
    %dot_general3A_197 = tpu.matmul %concatenate3A, %get3A_195, %dot_general3A_196 {dimension_numbers = #tpu.dot_dimension_numbers<[1], [0], [0], [1], [0, 0, 1, 1], [], []>, transpose_lhs_hint = false} : vector<1000x128xf32>, vector<128x128xf32>, vector<1000x128xf32> -> vector<1000x128xf32>
    %swap3A_198 = arith.constant 0 : index
    %swap3A_199 = arith.constant 0 : index
    %swap3A_200 = arith.constant 0 : index
    %swap3A_201 = vector.load %arg11[%swap3A_198, %swap3A_199, %swap3A_200] : memref<2x1000x128xf32, #tpu.memory_space<vmem>>, vector<1x1000x128xf32>
    %swap3A_202 = vector.shape_cast %swap3A_201 : vector<1x1000x128xf32> to vector<1000x128xf32>
    %swap3A_203 = vector.shape_cast %dot_general3A_197 : vector<1000x128xf32> to vector<1x1000x128xf32>
    tpu.vector_store %arg11[%swap3A_198, %swap3A_199, %swap3A_200], %swap3A_203 {strides = array<i32>} : memref<2x1000x128xf32, #tpu.memory_space<vmem>>, vector<1x1000x128xf32>,
    %dot_general3A_204 = arith.constant dense<0.000000e+00> : vector<1000x128xf32>
    %dot_general3A_205 = tpu.matmul %concatenate3A_181, %get3A_195, %dot_general3A_204 {dimension_numbers = #tpu.dot_dimension_numbers<[1], [0], [0], [1], [0, 0, 1, 1], [], []>, transpose_lhs_hint = false} : vector<1000x128xf32>, vector<128x128xf32>, vector<1000x128xf32> -> vector<1000x128xf32>
    %swap3A_206 = arith.constant 1 : index
    %swap3A_207 = arith.constant 0 : index
    %swap3A_208 = arith.constant 0 : index
    %swap3A_209 = vector.load %arg11[%swap3A_206, %swap3A_207, %swap3A_208] : memref<2x1000x128xf32, #tpu.memory_space<vmem>>, vector<1x1000x128xf32>
    %swap3A_210 = vector.shape_cast %swap3A_209 : vector<1x1000x128xf32> to vector<1000x128xf32>
    %swap3A_211 = vector.shape_cast %dot_general3A_205 : vector<1000x128xf32> to vector<1x1000x128xf32>
    tpu.vector_store %arg11[%swap3A_206, %swap3A_207, %swap3A_208], %swap3A_211 {strides = array<i32>} : memref<2x1000x128xf32, #tpu.memory_space<vmem>>, vector<1x1000x128xf32>,
    return
  }
  func.func @transform_0(%arg0: i32) -> (i32, i32) {
    %c0_i32 = arith.constant 0 : i32
    %c0_i32_0 = arith.constant 0 : i32
    return %arg0, %c0_i32 : i32, i32
  }
  func.func @transform_1(%arg0: i32) -> (i32, i32) {
    %c0_i32 = arith.constant 0 : i32
    %c0_i32_0 = arith.constant 0 : i32
    return %arg0, %c0_i32 : i32, i32
  }
  func.func @transform_2(%arg0: i32) -> (i32, i32) {
    %c0_i32 = arith.constant 0 : i32
    %c0_i32_0 = arith.constant 0 : i32
    %c0_i32_1 = arith.constant 0 : i32
    return %c0_i32, %c0_i32_0 : i32, i32
  }
  func.func @transform_3(%arg0: i32) -> (i32, i32) {
    %c0_i32 = arith.constant 0 : i32
    %c0_i32_0 = arith.constant 0 : i32
    %c0_i32_1 = arith.constant 0 : i32
    return %c0_i32, %c0_i32_0 : i32, i32
  }
  func.func @transform_4(%arg0: i32) -> (i32, i32) {
    %c0_i32 = arith.constant 0 : i32
    %c0_i32_0 = arith.constant 0 : i32
    %c0_i32_1 = arith.constant 0 : i32
    return %c0_i32, %c0_i32_0 : i32, i32
  }
  func.func @transform_5(%arg0: i32) -> (i32, i32) {
    %c0_i32 = arith.constant 0 : i32
    %c0_i32_0 = arith.constant 0 : i32
    %c0_i32_1 = arith.constant 0 : i32
    return %c0_i32, %c0_i32_0 : i32, i32
  }
  func.func @transform_6(%arg0: i32) -> (i32, i32) {
    %c0_i32 = arith.constant 0 : i32
    %c0_i32_0 = arith.constant 0 : i32
    %c0_i32_1 = arith.constant 0 : i32
    return %c0_i32, %c0_i32_0 : i32, i32
  }
  func.func @transform_7(%arg0: i32) -> (i32, i32) {
    %c0_i32 = arith.constant 0 : i32
    %c0_i32_0 = arith.constant 0 : i32
    %c0_i32_1 = arith.constant 0 : i32
    return %c0_i32, %c0_i32_0 : i32, i32
  }
  func.func @transform_8(%arg0: i32) -> (i32, i32) {
    %c0_i32 = arith.constant 0 : i32
    %c0_i32_0 = arith.constant 0 : i32
    %c0_i32_1 = arith.constant 0 : i32
    return %c0_i32, %c0_i32_0 : i32, i32
  }
  func.func @transform_9(%arg0: i32) -> (i32, i32, i32) {
    %c0_i32 = arith.constant 0 : i32
    %c0_i32_0 = arith.constant 0 : i32
    %c0_i32_1 = arith.constant 0 : i32
    return %c0_i32, %arg0, %c0_i32_0 : i32, i32, i32
  }
  func.func @transform_10(%arg0: i32) -> (i32, i32, i32) {
    %c0_i32 = arith.constant 0 : i32
    %c0_i32_0 = arith.constant 0 : i32
    %c0_i32_1 = arith.constant 0 : i32
    return %c0_i32, %arg0, %c0_i32_0 : i32, i32, i32
  }
}

module attributes {stable_mosaic.version = 14 : i64} {
  func.func @body(%arg0: i32, %arg1: memref<1000x128xf32, #tpu.memory_space<vmem>>, %arg2: memref<128x128xf32, #tpu.memory_space<vmem>>, %arg3: memref<1x128xf32, #tpu.memory_space<vmem>>, %arg4: memref<128x128xf32, #tpu.memory_space<vmem>>, %arg5: memref<1x128xf32, #tpu.memory_space<vmem>>, %arg6: memref<128x2xf32, #tpu.memory_space<vmem>>, %arg7: memref<1x2xf32, #tpu.memory_space<vmem>>, %arg8: memref<1000x2xf32, #tpu.memory_space<vmem>>) attributes {dimension_semantics = [#tpu.dimension_semantics<arbitrary>], iteration_bounds = array<i64: 90>, scalar_prefetch = 0 : i64, scratch_operands = 0 : i64, tpu.core_type = #tpu.core_type<tc>, window_params = [{transform_indices = @transform_0, window_bounds = array<i64: 1000, 128>}, {pipeline_mode = #tpu.pipeline_mode<synchronous>, transform_indices = @transform_1, window_bounds = array<i64: 128, 128>}, {pipeline_mode = #tpu.pipeline_mode<synchronous>, transform_indices = @transform_2, window_bounds = array<i64: 1, 128>}, {pipeline_mode = #tpu.pipeline_mode<synchronous>, transform_indices = @transform_3, window_bounds = array<i64: 128, 128>}, {pipeline_mode = #tpu.pipeline_mode<synchronous>, transform_indices = @transform_4, window_bounds = array<i64: 1, 128>}, {pipeline_mode = #tpu.pipeline_mode<synchronous>, transform_indices = @transform_5, window_bounds = array<i64: 128, 2>}, {pipeline_mode = #tpu.pipeline_mode<synchronous>, transform_indices = @transform_6, window_bounds = array<i64: 1, 2>}, {transform_indices = @transform_7, window_bounds = array<i64: 1000, 2>}]} {
    %get3A = arith.constant 0 : index
    %get3A_0 = arith.constant 0 : index
    %get3A_1 = vector.load %arg1[%get3A, %get3A_0] : memref<1000x128xf32, #tpu.memory_space<vmem>>, vector<1000x128xf32>
    %get3A_2 = arith.constant 0 : index
    %get3A_3 = arith.constant 0 : index
    %get3A_4 = vector.load %arg2[%get3A_2, %get3A_3] : memref<128x128xf32, #tpu.memory_space<vmem>>, vector<128x128xf32>
    %dot_general3A = arith.constant dense<0.000000e+00> : vector<1000x128xf32>
    %dot_general3A_5 = tpu.matmul %get3A_1, %get3A_4, %dot_general3A {dimension_numbers = #tpu.dot_dimension_numbers<[1], [0], [0], [1], [0, 0, 1, 1], [], []>, transpose_lhs_hint = false} : vector<1000x128xf32>, vector<128x128xf32>, vector<1000x128xf32> -> vector<1000x128xf32>
    %get3A_6 = arith.constant 0 : index
    %get3A_7 = arith.constant 0 : index
    %get3A_8 = vector.load %arg3[%get3A_6, %get3A_7] : memref<1x128xf32, #tpu.memory_space<vmem>>, vector<1x128xf32>
    %add3A = vector.broadcast %get3A_8 : vector<1x128xf32> to vector<1000x128xf32>
    %add3A_9 = arith.addf %dot_general3A_5, %add3A : vector<1000x128xf32>
    %max3A = arith.constant 0.000000e+00 : f32
    %max3A_10 = vector.broadcast %max3A : f32 to vector<1000x128xf32>
    %max3A_11 = arith.maximumf %add3A_9, %max3A_10 : vector<1000x128xf32>
    %get3A_12 = arith.constant 0 : index
    %get3A_13 = arith.constant 0 : index
    %get3A_14 = vector.load %arg4[%get3A_12, %get3A_13] : memref<128x128xf32, #tpu.memory_space<vmem>>, vector<128x128xf32>
    %dot_general3A_15 = arith.constant dense<0.000000e+00> : vector<1000x128xf32>
    %dot_general3A_16 = tpu.matmul %max3A_11, %get3A_14, %dot_general3A_15 {dimension_numbers = #tpu.dot_dimension_numbers<[1], [0], [0], [1], [0, 0, 1, 1], [], []>, transpose_lhs_hint = false} : vector<1000x128xf32>, vector<128x128xf32>, vector<1000x128xf32> -> vector<1000x128xf32>
    %get3A_17 = arith.constant 0 : index
    %get3A_18 = arith.constant 0 : index
    %get3A_19 = vector.load %arg5[%get3A_17, %get3A_18] : memref<1x128xf32, #tpu.memory_space<vmem>>, vector<1x128xf32>
    %add3A_20 = vector.broadcast %get3A_19 : vector<1x128xf32> to vector<1000x128xf32>
    %add3A_21 = arith.addf %dot_general3A_16, %add3A_20 : vector<1000x128xf32>
    %max3A_22 = arith.constant 0.000000e+00 : f32
    %max3A_23 = vector.broadcast %max3A_22 : f32 to vector<1000x128xf32>
    %max3A_24 = arith.maximumf %add3A_21, %max3A_23 : vector<1000x128xf32>
    %get3A_25 = arith.constant 0 : index
    %get3A_26 = arith.constant 0 : index
    %get3A_27 = vector.load %arg6[%get3A_25, %get3A_26] : memref<128x2xf32, #tpu.memory_space<vmem>>, vector<128x2xf32>
    %dot_general3A_28 = arith.constant dense<0.000000e+00> : vector<1000x2xf32>
    %dot_general3A_29 = tpu.matmul %max3A_24, %get3A_27, %dot_general3A_28 {dimension_numbers = #tpu.dot_dimension_numbers<[1], [0], [0], [1], [0, 0, 1, 1], [], []>, transpose_lhs_hint = false} : vector<1000x128xf32>, vector<128x2xf32>, vector<1000x2xf32> -> vector<1000x2xf32>
    %get3A_30 = arith.constant 0 : index
    %get3A_31 = arith.constant 0 : index
    %get3A_32 = vector.load %arg7[%get3A_30, %get3A_31] : memref<1x2xf32, #tpu.memory_space<vmem>>, vector<1x2xf32>
    %add3A_33 = vector.broadcast %get3A_32 : vector<1x2xf32> to vector<1000x2xf32>
    %add3A_34 = arith.addf %dot_general3A_29, %add3A_33 : vector<1000x2xf32>
    %logistic3A = arith.negf %add3A_34 : vector<1000x2xf32>
    %logistic3A_35 = math.exp %logistic3A : vector<1000x2xf32>
    %logistic3A_36 = arith.constant 1.000000e+00 : f32
    %logistic3A_37 = vector.broadcast %logistic3A_36 : f32 to vector<1000x2xf32>
    %logistic3A_38 = arith.addf %logistic3A_37, %logistic3A_35 : vector<1000x2xf32>
    %logistic3A_39 = arith.divf %logistic3A_37, %logistic3A_38 : vector<1000x2xf32>
    %swap3A = arith.constant 0 : index
    %swap3A_40 = arith.constant 0 : index
    %swap3A_41 = vector.load %arg8[%swap3A, %swap3A_40] : memref<1000x2xf32, #tpu.memory_space<vmem>>, vector<1000x2xf32>
    tpu.vector_store %arg8[%swap3A, %swap3A_40], %logistic3A_39 {strides = array<i32>} : memref<1000x2xf32, #tpu.memory_space<vmem>>, vector<1000x2xf32>,
    return
  }
  func.func @transform_0(%arg0: i32) -> (i32, i32) {
    %c0_i32 = arith.constant 0 : i32
    %c0_i32_0 = arith.constant 0 : i32
    return %arg0, %c0_i32 : i32, i32
  }
  func.func @transform_1(%arg0: i32) -> (i32, i32) {
    %c0_i32 = arith.constant 0 : i32
    %c0_i32_0 = arith.constant 0 : i32
    %c0_i32_1 = arith.constant 0 : i32
    return %c0_i32, %c0_i32_0 : i32, i32
  }
  func.func @transform_2(%arg0: i32) -> (i32, i32) {
    %c0_i32 = arith.constant 0 : i32
    %c0_i32_0 = arith.constant 0 : i32
    %c0_i32_1 = arith.constant 0 : i32
    return %c0_i32, %c0_i32_0 : i32, i32
  }
  func.func @transform_3(%arg0: i32) -> (i32, i32) {
    %c0_i32 = arith.constant 0 : i32
    %c0_i32_0 = arith.constant 0 : i32
    %c0_i32_1 = arith.constant 0 : i32
    return %c0_i32, %c0_i32_0 : i32, i32
  }
  func.func @transform_4(%arg0: i32) -> (i32, i32) {
    %c0_i32 = arith.constant 0 : i32
    %c0_i32_0 = arith.constant 0 : i32
    %c0_i32_1 = arith.constant 0 : i32
    return %c0_i32, %c0_i32_0 : i32, i32
  }
  func.func @transform_5(%arg0: i32) -> (i32, i32) {
    %c0_i32 = arith.constant 0 : i32
    %c0_i32_0 = arith.constant 0 : i32
    %c0_i32_1 = arith.constant 0 : i32
    return %c0_i32, %c0_i32_0 : i32, i32
  }
  func.func @transform_6(%arg0: i32) -> (i32, i32) {
    %c0_i32 = arith.constant 0 : i32
    %c0_i32_0 = arith.constant 0 : i32
    %c0_i32_1 = arith.constant 0 : i32
    return %c0_i32, %c0_i32_0 : i32, i32
  }
  func.func @transform_7(%arg0: i32) -> (i32, i32) {
    %c0_i32 = arith.constant 0 : i32
    %c0_i32_0 = arith.constant 0 : i32
    return %arg0, %c0_i32 : i32, i32
  }
}

module attributes {stable_mosaic.version = 14 : i64} {
  func.func @body(%arg0: i32, %arg1: memref<400x2xf32, #tpu.memory_space<vmem>>, %arg2: memref<2x128xf32, #tpu.memory_space<vmem>>, %arg3: memref<1x128xf32, #tpu.memory_space<vmem>>, %arg4: memref<128x128xf32, #tpu.memory_space<vmem>>, %arg5: memref<1x128xf32, #tpu.memory_space<vmem>>, %arg6: memref<128x128xf32, #tpu.memory_space<vmem>>, %arg7: memref<1x128xf32, #tpu.memory_space<vmem>>, %arg8: memref<400x128xf32, #tpu.memory_space<vmem>>, %arg9: memref<400x128xf32, #tpu.memory_space<vmem>>, %arg10: memref<400x128xf32, #tpu.memory_space<vmem>>) attributes {dimension_semantics = [#tpu.dimension_semantics<arbitrary>], iteration_bounds = array<i64: 25>, scalar_prefetch = 0 : i64, scratch_operands = 0 : i64, tpu.core_type = #tpu.core_type<tc>, window_params = [{transform_indices = @transform_0, window_bounds = array<i64: 400, 2>}, {pipeline_mode = #tpu.pipeline_mode<synchronous>, transform_indices = @transform_1, window_bounds = array<i64: 2, 128>}, {pipeline_mode = #tpu.pipeline_mode<synchronous>, transform_indices = @transform_2, window_bounds = array<i64: 1, 128>}, {pipeline_mode = #tpu.pipeline_mode<synchronous>, transform_indices = @transform_3, window_bounds = array<i64: 128, 128>}, {pipeline_mode = #tpu.pipeline_mode<synchronous>, transform_indices = @transform_4, window_bounds = array<i64: 1, 128>}, {pipeline_mode = #tpu.pipeline_mode<synchronous>, transform_indices = @transform_5, window_bounds = array<i64: 128, 128>}, {pipeline_mode = #tpu.pipeline_mode<synchronous>, transform_indices = @transform_6, window_bounds = array<i64: 1, 128>}, {transform_indices = @transform_7, window_bounds = array<i64: 400, 128>}, {transform_indices = @transform_8, window_bounds = array<i64: 400, 128>}, {transform_indices = @transform_9, window_bounds = array<i64: 400, 128>}]} {
    %get3A = arith.constant 0 : index
    %get3A_0 = arith.constant 0 : index
    %get3A_1 = vector.load %arg1[%get3A, %get3A_0] : memref<400x2xf32, #tpu.memory_space<vmem>>, vector<400x2xf32>
    %get3A_2 = arith.constant 0 : index
    %get3A_3 = arith.constant 0 : index
    %get3A_4 = vector.load %arg2[%get3A_2, %get3A_3] : memref<2x128xf32, #tpu.memory_space<vmem>>, vector<2x128xf32>
    %slice3A = vector.extract_strided_slice %get3A_1 {offsets = [0, 0], sizes = [400, 1], strides = [1, 1]} : vector<400x2xf32> to vector<400x1xf32>
    %slice3A_5 = vector.extract_strided_slice %get3A_4 {offsets = [0, 0], sizes = [1, 128], strides = [1, 1]} : vector<2x128xf32> to vector<1x128xf32>
    %mul3A = vector.broadcast %slice3A : vector<400x1xf32> to vector<400x128xf32>
    %mul3A_6 = vector.broadcast %slice3A_5 : vector<1x128xf32> to vector<400x128xf32>
    %mul3A_7 = arith.mulf %mul3A, %mul3A_6 : vector<400x128xf32>
    %slice3A_8 = vector.extract_strided_slice %get3A_1 {offsets = [0, 1], sizes = [400, 1], strides = [1, 1]} : vector<400x2xf32> to vector<400x1xf32>
    %slice3A_9 = vector.extract_strided_slice %get3A_4 {offsets = [1, 0], sizes = [1, 128], strides = [1, 1]} : vector<2x128xf32> to vector<1x128xf32>
    %mul3A_10 = vector.broadcast %slice3A_8 : vector<400x1xf32> to vector<400x128xf32>
    %mul3A_11 = vector.broadcast %slice3A_9 : vector<1x128xf32> to vector<400x128xf32>
    %mul3A_12 = arith.mulf %mul3A_10, %mul3A_11 : vector<400x128xf32>
    %add3A = arith.addf %mul3A_7, %mul3A_12 : vector<400x128xf32>
    %get3A_13 = arith.constant 0 : index
    %get3A_14 = arith.constant 0 : index
    %get3A_15 = vector.load %arg3[%get3A_13, %get3A_14] : memref<1x128xf32, #tpu.memory_space<vmem>>, vector<1x128xf32>
    %add3A_16 = vector.broadcast %get3A_15 : vector<1x128xf32> to vector<400x128xf32>
    %add3A_17 = arith.addf %add3A, %add3A_16 : vector<400x128xf32>
    %swap3A = arith.constant 0 : index
    %swap3A_18 = arith.constant 0 : index
    %swap3A_19 = vector.load %arg8[%swap3A, %swap3A_18] : memref<400x128xf32, #tpu.memory_space<vmem>>, vector<400x128xf32>
    tpu.vector_store %arg8[%swap3A, %swap3A_18], %add3A_17 {strides = array<i32>} : memref<400x128xf32, #tpu.memory_space<vmem>>, vector<400x128xf32>,
    %get3A_20 = arith.constant 0 : index
    %get3A_21 = arith.constant 0 : index
    %get3A_22 = vector.load %arg4[%get3A_20, %get3A_21] : memref<128x128xf32, #tpu.memory_space<vmem>>, vector<128x128xf32>
    %dot_general3A = arith.constant dense<0.000000e+00> : vector<400x128xf32>
    %dot_general3A_23 = tpu.matmul %add3A_17, %get3A_22, %dot_general3A {dimension_numbers = #tpu.dot_dimension_numbers<[1], [0], [0], [1], [0, 0, 1, 1], [], []>, transpose_lhs_hint = false} : vector<400x128xf32>, vector<128x128xf32>, vector<400x128xf32> -> vector<400x128xf32>
    %get3A_24 = arith.constant 0 : index
    %get3A_25 = arith.constant 0 : index
    %get3A_26 = vector.load %arg5[%get3A_24, %get3A_25] : memref<1x128xf32, #tpu.memory_space<vmem>>, vector<1x128xf32>
    %add3A_27 = vector.broadcast %get3A_26 : vector<1x128xf32> to vector<400x128xf32>
    %add3A_28 = arith.addf %dot_general3A_23, %add3A_27 : vector<400x128xf32>
    %swap3A_29 = arith.constant 0 : index
    %swap3A_30 = arith.constant 0 : index
    %swap3A_31 = vector.load %arg9[%swap3A_29, %swap3A_30] : memref<400x128xf32, #tpu.memory_space<vmem>>, vector<400x128xf32>
    tpu.vector_store %arg9[%swap3A_29, %swap3A_30], %add3A_28 {strides = array<i32>} : memref<400x128xf32, #tpu.memory_space<vmem>>, vector<400x128xf32>,
    %get3A_32 = arith.constant 0 : index
    %get3A_33 = arith.constant 0 : index
    %get3A_34 = vector.load %arg6[%get3A_32, %get3A_33] : memref<128x128xf32, #tpu.memory_space<vmem>>, vector<128x128xf32>
    %dot_general3A_35 = arith.constant dense<0.000000e+00> : vector<400x128xf32>
    %dot_general3A_36 = tpu.matmul %add3A_17, %get3A_34, %dot_general3A_35 {dimension_numbers = #tpu.dot_dimension_numbers<[1], [0], [0], [1], [0, 0, 1, 1], [], []>, transpose_lhs_hint = false} : vector<400x128xf32>, vector<128x128xf32>, vector<400x128xf32> -> vector<400x128xf32>
    %get3A_37 = arith.constant 0 : index
    %get3A_38 = arith.constant 0 : index
    %get3A_39 = vector.load %arg7[%get3A_37, %get3A_38] : memref<1x128xf32, #tpu.memory_space<vmem>>, vector<1x128xf32>
    %add3A_40 = vector.broadcast %get3A_39 : vector<1x128xf32> to vector<400x128xf32>
    %add3A_41 = arith.addf %dot_general3A_36, %add3A_40 : vector<400x128xf32>
    %swap3A_42 = arith.constant 0 : index
    %swap3A_43 = arith.constant 0 : index
    %swap3A_44 = vector.load %arg10[%swap3A_42, %swap3A_43] : memref<400x128xf32, #tpu.memory_space<vmem>>, vector<400x128xf32>
    tpu.vector_store %arg10[%swap3A_42, %swap3A_43], %add3A_41 {strides = array<i32>} : memref<400x128xf32, #tpu.memory_space<vmem>>, vector<400x128xf32>,
    return
  }
  func.func @transform_0(%arg0: i32) -> (i32, i32) {
    %c0_i32 = arith.constant 0 : i32
    %c0_i32_0 = arith.constant 0 : i32
    return %arg0, %c0_i32 : i32, i32
  }
  func.func @transform_1(%arg0: i32) -> (i32, i32) {
    %c0_i32 = arith.constant 0 : i32
    %c0_i32_0 = arith.constant 0 : i32
    %c0_i32_1 = arith.constant 0 : i32
    return %c0_i32, %c0_i32_0 : i32, i32
  }
  func.func @transform_2(%arg0: i32) -> (i32, i32) {
    %c0_i32 = arith.constant 0 : i32
    %c0_i32_0 = arith.constant 0 : i32
    %c0_i32_1 = arith.constant 0 : i32
    return %c0_i32, %c0_i32_0 : i32, i32
  }
  func.func @transform_3(%arg0: i32) -> (i32, i32) {
    %c0_i32 = arith.constant 0 : i32
    %c0_i32_0 = arith.constant 0 : i32
    %c0_i32_1 = arith.constant 0 : i32
    return %c0_i32, %c0_i32_0 : i32, i32
  }
  func.func @transform_4(%arg0: i32) -> (i32, i32) {
    %c0_i32 = arith.constant 0 : i32
    %c0_i32_0 = arith.constant 0 : i32
    %c0_i32_1 = arith.constant 0 : i32
    return %c0_i32, %c0_i32_0 : i32, i32
  }
  func.func @transform_5(%arg0: i32) -> (i32, i32) {
    %c0_i32 = arith.constant 0 : i32
    %c0_i32_0 = arith.constant 0 : i32
    %c0_i32_1 = arith.constant 0 : i32
    return %c0_i32, %c0_i32_0 : i32, i32
  }
  func.func @transform_6(%arg0: i32) -> (i32, i32) {
    %c0_i32 = arith.constant 0 : i32
    %c0_i32_0 = arith.constant 0 : i32
    %c0_i32_1 = arith.constant 0 : i32
    return %c0_i32, %c0_i32_0 : i32, i32
  }
  func.func @transform_7(%arg0: i32) -> (i32, i32) {
    %c0_i32 = arith.constant 0 : i32
    %c0_i32_0 = arith.constant 0 : i32
    return %arg0, %c0_i32 : i32, i32
  }
  func.func @transform_8(%arg0: i32) -> (i32, i32) {
    %c0_i32 = arith.constant 0 : i32
    %c0_i32_0 = arith.constant 0 : i32
    return %arg0, %c0_i32 : i32, i32
  }
  func.func @transform_9(%arg0: i32) -> (i32, i32) {
    %c0_i32 = arith.constant 0 : i32
    %c0_i32_0 = arith.constant 0 : i32
    return %arg0, %c0_i32 : i32, i32
  }
}

module attributes {stable_mosaic.version = 14 : i64} {
  func.func @body(%arg0: i32, %arg1: memref<6400x128xf32, #tpu.memory_space<vmem>>, %arg2: memref<200x128xf32, #tpu.memory_space<vmem>>, %arg3: memref<200x128xf32, #tpu.memory_space<vmem>>, %arg4: memref<128x128xf32, #tpu.memory_space<vmem>>, %arg5: memref<1x128xf32, #tpu.memory_space<vmem>>, %arg6: memref<1x128xf32, #tpu.memory_space<vmem>>, %arg7: memref<1x128xf32, #tpu.memory_space<vmem>>, %arg8: memref<1x1xf32, #tpu.memory_space<vmem>>, %arg9: memref<200x128xf32, #tpu.memory_space<vmem>>) attributes {dimension_semantics = [#tpu.dimension_semantics<arbitrary>], iteration_bounds = array<i64: 50>, scalar_prefetch = 0 : i64, scratch_operands = 0 : i64, tpu.core_type = #tpu.core_type<tc>, window_params = [{transform_indices = @transform_0, window_bounds = array<i64: 6400, 128>}, {transform_indices = @transform_1, window_bounds = array<i64: 200, 128>}, {transform_indices = @transform_2, window_bounds = array<i64: 200, 128>}, {pipeline_mode = #tpu.pipeline_mode<synchronous>, transform_indices = @transform_3, window_bounds = array<i64: 128, 128>}, {pipeline_mode = #tpu.pipeline_mode<synchronous>, transform_indices = @transform_4, window_bounds = array<i64: 1, 128>}, {pipeline_mode = #tpu.pipeline_mode<synchronous>, transform_indices = @transform_5, window_bounds = array<i64: 1, 128>}, {pipeline_mode = #tpu.pipeline_mode<synchronous>, transform_indices = @transform_6, window_bounds = array<i64: 1, 128>}, {pipeline_mode = #tpu.pipeline_mode<synchronous>, transform_indices = @transform_7, window_bounds = array<i64: 1, 1>}, {transform_indices = @transform_8, window_bounds = array<i64: 200, 128>}]} {
    %get3A = arith.constant 0 : index
    %get3A_0 = arith.constant 0 : index
    %get3A_1 = vector.load %arg1[%get3A, %get3A_0] : memref<6400x128xf32, #tpu.memory_space<vmem>>, vector<6400x128xf32>
    %reshape3A = vector.shape_cast %get3A_1 : vector<6400x128xf32> to vector<200x32x128xf32>
    %get3A_2 = arith.constant 0 : index
    %get3A_3 = arith.constant 0 : index
    %get3A_4 = vector.load %arg2[%get3A_2, %get3A_3] : memref<200x128xf32, #tpu.memory_space<vmem>>, vector<200x128xf32>
    %broadcast_in_dim3A = vector.shape_cast %get3A_4 : vector<200x128xf32> to vector<200x1x128xf32>
    %add3A = vector.broadcast %broadcast_in_dim3A : vector<200x1x128xf32> to vector<200x32x128xf32>
    %add3A_5 = arith.addf %reshape3A, %add3A : vector<200x32x128xf32>
    %max3A = arith.constant 0.000000e+00 : f32
    %max3A_6 = vector.broadcast %max3A : f32 to vector<200x32x128xf32>
    %max3A_7 = arith.maximumf %add3A_5, %max3A_6 : vector<200x32x128xf32>
    %reshape3A_8 = vector.shape_cast %max3A_7 : vector<200x32x128xf32> to vector<6400x128xf32>
    %get3A_9 = arith.constant 0 : index
    %get3A_10 = arith.constant 0 : index
    %get3A_11 = vector.load %arg4[%get3A_9, %get3A_10] : memref<128x128xf32, #tpu.memory_space<vmem>>, vector<128x128xf32>
    %dot_general3A = arith.constant dense<0.000000e+00> : vector<6400x128xf32>
    %dot_general3A_12 = tpu.matmul %reshape3A_8, %get3A_11, %dot_general3A {dimension_numbers = #tpu.dot_dimension_numbers<[1], [0], [0], [1], [0, 0, 1, 1], [], []>, transpose_lhs_hint = false} : vector<6400x128xf32>, vector<128x128xf32>, vector<6400x128xf32> -> vector<6400x128xf32>
    %get3A_13 = arith.constant 0 : index
    %get3A_14 = arith.constant 0 : index
    %get3A_15 = vector.load %arg5[%get3A_13, %get3A_14] : memref<1x128xf32, #tpu.memory_space<vmem>>, vector<1x128xf32>
    %add3A_16 = vector.broadcast %get3A_15 : vector<1x128xf32> to vector<6400x128xf32>
    %add3A_17 = arith.addf %dot_general3A_12, %add3A_16 : vector<6400x128xf32>
    %max3A_18 = arith.constant 0.000000e+00 : f32
    %max3A_19 = vector.broadcast %max3A_18 : f32 to vector<6400x128xf32>
    %max3A_20 = arith.maximumf %add3A_17, %max3A_19 : vector<6400x128xf32>
    %get3A_21 = arith.constant 0 : index
    %get3A_22 = arith.constant 0 : index
    %get3A_23 = vector.load %arg6[%get3A_21, %get3A_22] : memref<1x128xf32, #tpu.memory_space<vmem>>, vector<1x128xf32>
    %mul3A = vector.broadcast %get3A_23 : vector<1x128xf32> to vector<6400x128xf32>
    %mul3A_24 = arith.mulf %max3A_20, %mul3A : vector<6400x128xf32>
    %reduce_sum3A = arith.constant dense<0.000000e+00> : vector<6400xf32>
    %reduce_sum3A_25 = vector.multi_reduction <add>, %mul3A_24, %reduce_sum3A [1] : vector<6400x128xf32> to vector<6400xf32>
    %reshape3A_26 = vector.shape_cast %reduce_sum3A_25 : vector<6400xf32> to vector<200x32xf32>
    %get3A_27 = arith.constant 0 : index
    %get3A_28 = arith.constant 0 : index
    %get3A_29 = vector.load %arg3[%get3A_27, %get3A_28] : memref<200x128xf32, #tpu.memory_space<vmem>>, vector<200x128xf32>
    %get3A_30 = arith.constant 0 : index
    %get3A_31 = arith.constant 0 : index
    %get3A_32 = vector.load %arg7[%get3A_30, %get3A_31] : memref<1x128xf32, #tpu.memory_space<vmem>>, vector<1x128xf32>
    %mul3A_33 = vector.broadcast %get3A_32 : vector<1x128xf32> to vector<200x128xf32>
    %mul3A_34 = arith.mulf %get3A_29, %mul3A_33 : vector<200x128xf32>
    %reduce_sum3A_35 = arith.constant dense<0.000000e+00> : vector<200xf32>
    %reduce_sum3A_36 = vector.multi_reduction <add>, %mul3A_34, %reduce_sum3A_35 [1] : vector<200x128xf32> to vector<200xf32>
    %broadcast_in_dim3A_37 = vector.shape_cast %reduce_sum3A_36 : vector<200xf32> to vector<200x1xf32>
    %add3A_38 = vector.broadcast %broadcast_in_dim3A_37 : vector<200x1xf32> to vector<200x32xf32>
    %add3A_39 = arith.addf %reshape3A_26, %add3A_38 : vector<200x32xf32>
    %get3A_40 = arith.constant 0 : index
    %get3A_41 = arith.constant 0 : index
    %get3A_42 = vector.load %arg8[%get3A_40, %get3A_41] : memref<1x1xf32, #tpu.memory_space<vmem>>, vector<1x1xf32>
    %add3A_43 = vector.broadcast %get3A_42 : vector<1x1xf32> to vector<200x32xf32>
    %add3A_44 = arith.addf %add3A_39, %add3A_43 : vector<200x32xf32>
    %ge3A = arith.constant 0.000000e+00 : f32
    %ge3A_45 = vector.broadcast %ge3A : f32 to vector<200x32xf32>
    %ge3A_46 = arith.cmpf oge, %add3A_44, %ge3A_45 : vector<200x32xf32>
    %mul3A_47 = arith.constant 2.000000e-01 : f32
    %mul3A_48 = vector.broadcast %mul3A_47 : f32 to vector<200x32xf32>
    %mul3A_49 = arith.mulf %mul3A_48, %add3A_44 : vector<200x32xf32>
    %select_n3A = arith.select %ge3A_46, %add3A_44, %mul3A_49 : vector<200x32xi1>, vector<200x32xf32>
    %reduce_max3A = arith.constant dense<0xFF800000> : vector<200xf32>
    %reduce_max3A_50 = vector.multi_reduction <maximumf>, %select_n3A, %reduce_max3A [1] : vector<200x32xf32> to vector<200xf32>
    %broadcast_in_dim3A_51 = vector.shape_cast %reduce_max3A_50 : vector<200xf32> to vector<200x1xf32>
    %sub3A = vector.broadcast %broadcast_in_dim3A_51 : vector<200x1xf32> to vector<200x32xf32>
    %sub3A_52 = arith.subf %select_n3A, %sub3A : vector<200x32xf32>
    %exp3A = math.exp %sub3A_52 : vector<200x32xf32>
    %reduce_sum3A_53 = arith.constant dense<0.000000e+00> : vector<200xf32>
    %reduce_sum3A_54 = vector.multi_reduction <add>, %exp3A, %reduce_sum3A_53 [1] : vector<200x32xf32> to vector<200xf32>
    %broadcast_in_dim3A_55 = vector.shape_cast %reduce_sum3A_54 : vector<200xf32> to vector<200x1xf32>
    %div3A = vector.broadcast %broadcast_in_dim3A_55 : vector<200x1xf32> to vector<200x32xf32>
    %div3A_56 = arith.divf %exp3A, %div3A : vector<200x32xf32>
    %reshape3A_57 = vector.shape_cast %max3A_20 : vector<6400x128xf32> to vector<200x32x128xf32>
    %broadcast_in_dim3A_58 = vector.shape_cast %div3A_56 : vector<200x32xf32> to vector<200x32x1xf32>
    %mul3A_59 = vector.broadcast %broadcast_in_dim3A_58 : vector<200x32x1xf32> to vector<200x32x128xf32>
    %mul3A_60 = arith.mulf %mul3A_59, %reshape3A_57 : vector<200x32x128xf32>
    %reduce_sum3A_61 = arith.constant dense<0.000000e+00> : vector<200x128xf32>
    %reduce_sum3A_62 = vector.multi_reduction <add>, %mul3A_60, %reduce_sum3A_61 [1] : vector<200x32x128xf32> to vector<200x128xf32>
    %mul3A_63 = arith.constant 3.125000e-02 : f32
    %mul3A_64 = vector.broadcast %mul3A_63 : f32 to vector<200x128xf32>
    %mul3A_65 = arith.mulf %reduce_sum3A_62, %mul3A_64 : vector<200x128xf32>
    %swap3A = arith.constant 0 : index
    %swap3A_66 = arith.constant 0 : index
    %swap3A_67 = vector.load %arg9[%swap3A, %swap3A_66] : memref<200x128xf32, #tpu.memory_space<vmem>>, vector<200x128xf32>
    tpu.vector_store %arg9[%swap3A, %swap3A_66], %mul3A_65 {strides = array<i32>} : memref<200x128xf32, #tpu.memory_space<vmem>>, vector<200x128xf32>,
    return
  }
  func.func @transform_0(%arg0: i32) -> (i32, i32) {
    %c0_i32 = arith.constant 0 : i32
    %c0_i32_0 = arith.constant 0 : i32
    return %arg0, %c0_i32 : i32, i32
  }
  func.func @transform_1(%arg0: i32) -> (i32, i32) {
    %c0_i32 = arith.constant 0 : i32
    %c0_i32_0 = arith.constant 0 : i32
    return %arg0, %c0_i32 : i32, i32
  }
  func.func @transform_2(%arg0: i32) -> (i32, i32) {
    %c0_i32 = arith.constant 0 : i32
    %c0_i32_0 = arith.constant 0 : i32
    return %arg0, %c0_i32 : i32, i32
  }
  func.func @transform_3(%arg0: i32) -> (i32, i32) {
    %c0_i32 = arith.constant 0 : i32
    %c0_i32_0 = arith.constant 0 : i32
    %c0_i32_1 = arith.constant 0 : i32
    return %c0_i32, %c0_i32_0 : i32, i32
  }
  func.func @transform_4(%arg0: i32) -> (i32, i32) {
    %c0_i32 = arith.constant 0 : i32
    %c0_i32_0 = arith.constant 0 : i32
    %c0_i32_1 = arith.constant 0 : i32
    return %c0_i32, %c0_i32_0 : i32, i32
  }
  func.func @transform_5(%arg0: i32) -> (i32, i32) {
    %c0_i32 = arith.constant 0 : i32
    %c0_i32_0 = arith.constant 0 : i32
    %c0_i32_1 = arith.constant 0 : i32
    return %c0_i32, %c0_i32_0 : i32, i32
  }
  func.func @transform_6(%arg0: i32) -> (i32, i32) {
    %c0_i32 = arith.constant 0 : i32
    %c0_i32_0 = arith.constant 0 : i32
    %c0_i32_1 = arith.constant 0 : i32
    return %c0_i32, %c0_i32_0 : i32, i32
  }
  func.func @transform_7(%arg0: i32) -> (i32, i32) {
    %c0_i32 = arith.constant 0 : i32
    %c0_i32_0 = arith.constant 0 : i32
    %c0_i32_1 = arith.constant 0 : i32
    return %c0_i32, %c0_i32_0 : i32, i32
  }
  func.func @transform_8(%arg0: i32) -> (i32, i32) {
    %c0_i32 = arith.constant 0 : i32
    %c0_i32_0 = arith.constant 0 : i32
    return %arg0, %c0_i32 : i32, i32
  }
}

module attributes {stable_mosaic.version = 14 : i64} {
  func.func @body(%arg0: i32, %arg1: memref<400x128xf32, #tpu.memory_space<vmem>>, %arg2: memref<400x128xf32, #tpu.memory_space<vmem>>, %arg3: memref<128x128xf32, #tpu.memory_space<vmem>>, %arg4: memref<128x128xf32, #tpu.memory_space<vmem>>, %arg5: memref<1x128xf32, #tpu.memory_space<vmem>>, %arg6: memref<128x128xf32, #tpu.memory_space<vmem>>, %arg7: memref<1x128xf32, #tpu.memory_space<vmem>>, %arg8: memref<128x256xf32, #tpu.memory_space<vmem>>, %arg9: memref<1x256xf32, #tpu.memory_space<vmem>>, %arg10: memref<128x256xf32, #tpu.memory_space<vmem>>, %arg11: memref<1x256xf32, #tpu.memory_space<vmem>>, %arg12: memref<400x256xf32, #tpu.memory_space<vmem>>, %arg13: memref<400x256xf32, #tpu.memory_space<vmem>>) attributes {dimension_semantics = [#tpu.dimension_semantics<arbitrary>], iteration_bounds = array<i64: 25>, scalar_prefetch = 0 : i64, scratch_operands = 0 : i64, tpu.core_type = #tpu.core_type<tc>, window_params = [{transform_indices = @transform_0, window_bounds = array<i64: 400, 128>}, {transform_indices = @transform_1, window_bounds = array<i64: 400, 128>}, {pipeline_mode = #tpu.pipeline_mode<synchronous>, transform_indices = @transform_2, window_bounds = array<i64: 128, 128>}, {pipeline_mode = #tpu.pipeline_mode<synchronous>, transform_indices = @transform_3, window_bounds = array<i64: 128, 128>}, {pipeline_mode = #tpu.pipeline_mode<synchronous>, transform_indices = @transform_4, window_bounds = array<i64: 1, 128>}, {pipeline_mode = #tpu.pipeline_mode<synchronous>, transform_indices = @transform_5, window_bounds = array<i64: 128, 128>}, {pipeline_mode = #tpu.pipeline_mode<synchronous>, transform_indices = @transform_6, window_bounds = array<i64: 1, 128>}, {pipeline_mode = #tpu.pipeline_mode<synchronous>, transform_indices = @transform_7, window_bounds = array<i64: 128, 256>}, {pipeline_mode = #tpu.pipeline_mode<synchronous>, transform_indices = @transform_8, window_bounds = array<i64: 1, 256>}, {pipeline_mode = #tpu.pipeline_mode<synchronous>, transform_indices = @transform_9, window_bounds = array<i64: 128, 256>}, {pipeline_mode = #tpu.pipeline_mode<synchronous>, transform_indices = @transform_10, window_bounds = array<i64: 1, 256>}, {transform_indices = @transform_11, window_bounds = array<i64: 400, 256>}, {transform_indices = @transform_12, window_bounds = array<i64: 400, 256>}]} {
    %get3A = arith.constant 0 : index
    %get3A_0 = arith.constant 0 : index
    %get3A_1 = vector.load %arg1[%get3A, %get3A_0] : memref<400x128xf32, #tpu.memory_space<vmem>>, vector<400x128xf32>
    %get3A_2 = arith.constant 0 : index
    %get3A_3 = arith.constant 0 : index
    %get3A_4 = vector.load %arg3[%get3A_2, %get3A_3] : memref<128x128xf32, #tpu.memory_space<vmem>>, vector<128x128xf32>
    %dot_general3A = arith.constant dense<0.000000e+00> : vector<400x128xf32>
    %dot_general3A_5 = tpu.matmul %get3A_1, %get3A_4, %dot_general3A {dimension_numbers = #tpu.dot_dimension_numbers<[1], [0], [0], [1], [0, 0, 1, 1], [], []>, transpose_lhs_hint = false} : vector<400x128xf32>, vector<128x128xf32>, vector<400x128xf32> -> vector<400x128xf32>
    %get3A_6 = arith.constant 0 : index
    %get3A_7 = arith.constant 0 : index
    %get3A_8 = vector.load %arg2[%get3A_6, %get3A_7] : memref<400x128xf32, #tpu.memory_space<vmem>>, vector<400x128xf32>
    %get3A_9 = arith.constant 0 : index
    %get3A_10 = arith.constant 0 : index
    %get3A_11 = vector.load %arg4[%get3A_9, %get3A_10] : memref<128x128xf32, #tpu.memory_space<vmem>>, vector<128x128xf32>
    %dot_general3A_12 = arith.constant dense<0.000000e+00> : vector<400x128xf32>
    %dot_general3A_13 = tpu.matmul %get3A_8, %get3A_11, %dot_general3A_12 {dimension_numbers = #tpu.dot_dimension_numbers<[1], [0], [0], [1], [0, 0, 1, 1], [], []>, transpose_lhs_hint = false} : vector<400x128xf32>, vector<128x128xf32>, vector<400x128xf32> -> vector<400x128xf32>
    %add3A = arith.addf %dot_general3A_5, %dot_general3A_13 : vector<400x128xf32>
    %get3A_14 = arith.constant 0 : index
    %get3A_15 = arith.constant 0 : index
    %get3A_16 = vector.load %arg5[%get3A_14, %get3A_15] : memref<1x128xf32, #tpu.memory_space<vmem>>, vector<1x128xf32>
    %add3A_17 = vector.broadcast %get3A_16 : vector<1x128xf32> to vector<400x128xf32>
    %add3A_18 = arith.addf %add3A, %add3A_17 : vector<400x128xf32>
    %max3A = arith.constant 0.000000e+00 : f32
    %max3A_19 = vector.broadcast %max3A : f32 to vector<400x128xf32>
    %max3A_20 = arith.maximumf %add3A_18, %max3A_19 : vector<400x128xf32>
    %get3A_21 = arith.constant 0 : index
    %get3A_22 = arith.constant 0 : index
    %get3A_23 = vector.load %arg6[%get3A_21, %get3A_22] : memref<128x128xf32, #tpu.memory_space<vmem>>, vector<128x128xf32>
    %dot_general3A_24 = arith.constant dense<0.000000e+00> : vector<400x128xf32>
    %dot_general3A_25 = tpu.matmul %max3A_20, %get3A_23, %dot_general3A_24 {dimension_numbers = #tpu.dot_dimension_numbers<[1], [0], [0], [1], [0, 0, 1, 1], [], []>, transpose_lhs_hint = false} : vector<400x128xf32>, vector<128x128xf32>, vector<400x128xf32> -> vector<400x128xf32>
    %get3A_26 = arith.constant 0 : index
    %get3A_27 = arith.constant 0 : index
    %get3A_28 = vector.load %arg7[%get3A_26, %get3A_27] : memref<1x128xf32, #tpu.memory_space<vmem>>, vector<1x128xf32>
    %add3A_29 = vector.broadcast %get3A_28 : vector<1x128xf32> to vector<400x128xf32>
    %add3A_30 = arith.addf %dot_general3A_25, %add3A_29 : vector<400x128xf32>
    %max3A_31 = arith.constant 0.000000e+00 : f32
    %max3A_32 = vector.broadcast %max3A_31 : f32 to vector<400x128xf32>
    %max3A_33 = arith.maximumf %add3A_30, %max3A_32 : vector<400x128xf32>
    %get3A_34 = arith.constant 0 : index
    %get3A_35 = arith.constant 0 : index
    %get3A_36 = vector.load %arg8[%get3A_34, %get3A_35] : memref<128x256xf32, #tpu.memory_space<vmem>>, vector<128x256xf32>
    %dot_general3A_37 = arith.constant dense<0.000000e+00> : vector<400x256xf32>
    %dot_general3A_38 = tpu.matmul %max3A_33, %get3A_36, %dot_general3A_37 {dimension_numbers = #tpu.dot_dimension_numbers<[1], [0], [0], [1], [0, 0, 1, 1], [], []>, transpose_lhs_hint = false} : vector<400x128xf32>, vector<128x256xf32>, vector<400x256xf32> -> vector<400x256xf32>
    %get3A_39 = arith.constant 0 : index
    %get3A_40 = arith.constant 0 : index
    %get3A_41 = vector.load %arg9[%get3A_39, %get3A_40] : memref<1x256xf32, #tpu.memory_space<vmem>>, vector<1x256xf32>
    %add3A_42 = vector.broadcast %get3A_41 : vector<1x256xf32> to vector<400x256xf32>
    %add3A_43 = arith.addf %dot_general3A_38, %add3A_42 : vector<400x256xf32>
    %swap3A = arith.constant 0 : index
    %swap3A_44 = arith.constant 0 : index
    %swap3A_45 = vector.load %arg12[%swap3A, %swap3A_44] : memref<400x256xf32, #tpu.memory_space<vmem>>, vector<400x256xf32>
    tpu.vector_store %arg12[%swap3A, %swap3A_44], %add3A_43 {strides = array<i32>} : memref<400x256xf32, #tpu.memory_space<vmem>>, vector<400x256xf32>,
    %get3A_46 = arith.constant 0 : index
    %get3A_47 = arith.constant 0 : index
    %get3A_48 = vector.load %arg10[%get3A_46, %get3A_47] : memref<128x256xf32, #tpu.memory_space<vmem>>, vector<128x256xf32>
    %dot_general3A_49 = arith.constant dense<0.000000e+00> : vector<400x256xf32>
    %dot_general3A_50 = tpu.matmul %max3A_33, %get3A_48, %dot_general3A_49 {dimension_numbers = #tpu.dot_dimension_numbers<[1], [0], [0], [1], [0, 0, 1, 1], [], []>, transpose_lhs_hint = false} : vector<400x128xf32>, vector<128x256xf32>, vector<400x256xf32> -> vector<400x256xf32>
    %get3A_51 = arith.constant 0 : index
    %get3A_52 = arith.constant 0 : index
    %get3A_53 = vector.load %arg11[%get3A_51, %get3A_52] : memref<1x256xf32, #tpu.memory_space<vmem>>, vector<1x256xf32>
    %add3A_54 = vector.broadcast %get3A_53 : vector<1x256xf32> to vector<400x256xf32>
    %add3A_55 = arith.addf %dot_general3A_50, %add3A_54 : vector<400x256xf32>
    %swap3A_56 = arith.constant 0 : index
    %swap3A_57 = arith.constant 0 : index
    %swap3A_58 = vector.load %arg13[%swap3A_56, %swap3A_57] : memref<400x256xf32, #tpu.memory_space<vmem>>, vector<400x256xf32>
    tpu.vector_store %arg13[%swap3A_56, %swap3A_57], %add3A_55 {strides = array<i32>} : memref<400x256xf32, #tpu.memory_space<vmem>>, vector<400x256xf32>,
    return
  }
  func.func @transform_0(%arg0: i32) -> (i32, i32) {
    %c0_i32 = arith.constant 0 : i32
    %c0_i32_0 = arith.constant 0 : i32
    return %arg0, %c0_i32 : i32, i32
  }
  func.func @transform_1(%arg0: i32) -> (i32, i32) {
    %c0_i32 = arith.constant 0 : i32
    %c0_i32_0 = arith.constant 0 : i32
    return %arg0, %c0_i32 : i32, i32
  }
  func.func @transform_2(%arg0: i32) -> (i32, i32) {
    %c0_i32 = arith.constant 0 : i32
    %c0_i32_0 = arith.constant 0 : i32
    %c0_i32_1 = arith.constant 0 : i32
    return %c0_i32, %c0_i32_0 : i32, i32
  }
  func.func @transform_3(%arg0: i32) -> (i32, i32) {
    %c0_i32 = arith.constant 0 : i32
    %c0_i32_0 = arith.constant 0 : i32
    %c0_i32_1 = arith.constant 0 : i32
    return %c0_i32, %c0_i32_0 : i32, i32
  }
  func.func @transform_4(%arg0: i32) -> (i32, i32) {
    %c0_i32 = arith.constant 0 : i32
    %c0_i32_0 = arith.constant 0 : i32
    %c0_i32_1 = arith.constant 0 : i32
    return %c0_i32, %c0_i32_0 : i32, i32
  }
  func.func @transform_5(%arg0: i32) -> (i32, i32) {
    %c0_i32 = arith.constant 0 : i32
    %c0_i32_0 = arith.constant 0 : i32
    %c0_i32_1 = arith.constant 0 : i32
    return %c0_i32, %c0_i32_0 : i32, i32
  }
  func.func @transform_6(%arg0: i32) -> (i32, i32) {
    %c0_i32 = arith.constant 0 : i32
    %c0_i32_0 = arith.constant 0 : i32
    %c0_i32_1 = arith.constant 0 : i32
    return %c0_i32, %c0_i32_0 : i32, i32
  }
  func.func @transform_7(%arg0: i32) -> (i32, i32) {
    %c0_i32 = arith.constant 0 : i32
    %c0_i32_0 = arith.constant 0 : i32
    %c0_i32_1 = arith.constant 0 : i32
    return %c0_i32, %c0_i32_0 : i32, i32
  }
  func.func @transform_8(%arg0: i32) -> (i32, i32) {
    %c0_i32 = arith.constant 0 : i32
    %c0_i32_0 = arith.constant 0 : i32
    %c0_i32_1 = arith.constant 0 : i32
    return %c0_i32, %c0_i32_0 : i32, i32
  }
  func.func @transform_9(%arg0: i32) -> (i32, i32) {
    %c0_i32 = arith.constant 0 : i32
    %c0_i32_0 = arith.constant 0 : i32
    %c0_i32_1 = arith.constant 0 : i32
    return %c0_i32, %c0_i32_0 : i32, i32
  }
  func.func @transform_10(%arg0: i32) -> (i32, i32) {
    %c0_i32 = arith.constant 0 : i32
    %c0_i32_0 = arith.constant 0 : i32
    %c0_i32_1 = arith.constant 0 : i32
    return %c0_i32, %c0_i32_0 : i32, i32
  }
  func.func @transform_11(%arg0: i32) -> (i32, i32) {
    %c0_i32 = arith.constant 0 : i32
    %c0_i32_0 = arith.constant 0 : i32
    return %arg0, %c0_i32 : i32, i32
  }
  func.func @transform_12(%arg0: i32) -> (i32, i32) {
    %c0_i32 = arith.constant 0 : i32
    %c0_i32_0 = arith.constant 0 : i32
    return %arg0, %c0_i32 : i32, i32
  }
}

module attributes {stable_mosaic.version = 14 : i64} {
  func.func @body(%arg0: i32, %arg1: memref<400x512xf32, #tpu.memory_space<vmem>>, %arg2: memref<128x512xf32, #tpu.memory_space<vmem>>, %arg3: memref<400x128xf32, #tpu.memory_space<vmem>>, %arg4: memref<8x128xf32, #tpu.memory_space<vmem>>, %arg5: memref<8x128xf32, #tpu.memory_space<vmem>>) attributes {dimension_semantics = [#tpu.dimension_semantics<arbitrary>], iteration_bounds = array<i64: 25>, scalar_prefetch = 0 : i64, scratch_operands = 2 : i64, tpu.core_type = #tpu.core_type<tc>, window_params = [{transform_indices = @transform_0, window_bounds = array<i64: 400, 512>}, {pipeline_mode = #tpu.pipeline_mode<synchronous>, transform_indices = @transform_1, window_bounds = array<i64: 128, 512>}, {transform_indices = @transform_2, window_bounds = array<i64: 400, 128>}]} {
    %eq3A = arith.constant 0 : i32
    %eq3A_0 = arith.cmpi eq, %arg0, %eq3A : i32
    %convert_element_type3A = arith.extui %eq3A_0 : i1 to i32
    %cond3A = arith.constant 0 : i32
    %cond3A_1 = arith.cmpi ne, %convert_element_type3A, %cond3A : i32
    scf.if %cond3A_1 {
      %broadcast_in_dim3A = arith.constant 0.000000e+00 : f32
      %broadcast_in_dim3A_20 = vector.broadcast %broadcast_in_dim3A : f32 to vector<8x128xf32>
      %swap3A_21 = arith.constant 0 : index
      %swap3A_22 = arith.constant 0 : index
      %swap3A_23 = vector.load %arg4[%swap3A_21, %swap3A_22] : memref<8x128xf32, #tpu.memory_space<vmem>>, vector<8x128xf32>
      tpu.vector_store %arg4[%swap3A_21, %swap3A_22], %broadcast_in_dim3A_20 {strides = array<i32>} : memref<8x128xf32, #tpu.memory_space<vmem>>, vector<8x128xf32>,
      %broadcast_in_dim3A_24 = arith.constant 0.000000e+00 : f32
      %broadcast_in_dim3A_25 = vector.broadcast %broadcast_in_dim3A_24 : f32 to vector<8x128xf32>
      %swap3A_26 = arith.constant 0 : index
      %swap3A_27 = arith.constant 0 : index
      %swap3A_28 = vector.load %arg5[%swap3A_26, %swap3A_27] : memref<8x128xf32, #tpu.memory_space<vmem>>, vector<8x128xf32>
      tpu.vector_store %arg5[%swap3A_26, %swap3A_27], %broadcast_in_dim3A_25 {strides = array<i32>} : memref<8x128xf32, #tpu.memory_space<vmem>>, vector<8x128xf32>,
    } else {
    }
    %get3A = arith.constant 0 : index
    %get3A_2 = arith.constant 0 : index
    %get3A_3 = vector.load %arg2[%get3A, %get3A_2] : memref<128x512xf32, #tpu.memory_space<vmem>>, vector<128x512xf32>
    %get3A_4 = arith.constant 0 : index
    %get3A_5 = arith.constant 0 : index
    %get3A_6 = vector.load %arg4[%get3A_4, %get3A_5] : memref<8x128xf32, #tpu.memory_space<vmem>>, vector<1x128xf32>
    %get3A_7 = arith.constant 0 : index
    %get3A_8 = arith.constant 0 : index
    %get3A_9 = vector.load %arg5[%get3A_7, %get3A_8] : memref<8x128xf32, #tpu.memory_space<vmem>>, vector<1x128xf32>
    %scan3A = arith.constant 0 : i32
    %scan3A_10 = arith.constant 400 : i32
    %scan3A_11 = arith.addi %scan3A, %scan3A_10 : i32
    %scan3A_12 = arith.constant 8 : i32
    %scan3A_13:2 = scf.for %scan3A_20 = %scan3A to %scan3A_11 step %scan3A_12 iter_args(%scan3A_21 = %get3A_6, %scan3A_22 = %get3A_9) -> (vector<1x128xf32>, vector<1x128xf32>)  : i32 {
      %get3A_23 = arith.index_cast %scan3A_20 : i32 to index
      %get3A_24 = arith.constant 0 : index
      %get3A_25 = vector.load %arg1[%get3A_23, %get3A_24] : memref<400x512xf32, #tpu.memory_space<vmem>>, vector<1x512xf32>
      %dot_general3A = arith.constant dense<0.000000e+00> : vector<1x512xf32>
      %dot_general3A_26 = tpu.matmul %scan3A_21, %get3A_3, %dot_general3A {dimension_numbers = #tpu.dot_dimension_numbers<[1], [0], [0], [1], [0, 0, 1, 1], [], []>, transpose_lhs_hint = false} : vector<1x128xf32>, vector<128x512xf32>, vector<1x512xf32> -> vector<1x512xf32>
      %add3A = arith.addf %get3A_25, %dot_general3A_26 : vector<1x512xf32>
      %slice3A = vector.extract_strided_slice %add3A {offsets = [0, 0], sizes = [1, 128], strides = [1, 1]} : vector<1x512xf32> to vector<1x128xf32>
      %logistic3A = arith.negf %slice3A : vector<1x128xf32>
      %logistic3A_27 = math.exp %logistic3A : vector<1x128xf32>
      %logistic3A_28 = arith.constant 1.000000e+00 : f32
      %logistic3A_29 = vector.broadcast %logistic3A_28 : f32 to vector<1x128xf32>
      %logistic3A_30 = arith.addf %logistic3A_29, %logistic3A_27 : vector<1x128xf32>
      %logistic3A_31 = arith.divf %logistic3A_29, %logistic3A_30 : vector<1x128xf32>
      %slice3A_32 = vector.extract_strided_slice %add3A {offsets = [0, 128], sizes = [1, 128], strides = [1, 1]} : vector<1x512xf32> to vector<1x128xf32>
      %logistic3A_33 = arith.negf %slice3A_32 : vector<1x128xf32>
      %logistic3A_34 = math.exp %logistic3A_33 : vector<1x128xf32>
      %logistic3A_35 = arith.constant 1.000000e+00 : f32
      %logistic3A_36 = vector.broadcast %logistic3A_35 : f32 to vector<1x128xf32>
      %logistic3A_37 = arith.addf %logistic3A_36, %logistic3A_34 : vector<1x128xf32>
      %logistic3A_38 = arith.divf %logistic3A_36, %logistic3A_37 : vector<1x128xf32>
      %slice3A_39 = vector.extract_strided_slice %add3A {offsets = [0, 256], sizes = [1, 128], strides = [1, 1]} : vector<1x512xf32> to vector<1x128xf32>
      %tanh3A = math.tanh %slice3A_39 : vector<1x128xf32>
      %slice3A_40 = vector.extract_strided_slice %add3A {offsets = [0, 384], sizes = [1, 128], strides = [1, 1]} : vector<1x512xf32> to vector<1x128xf32>
      %logistic3A_41 = arith.negf %slice3A_40 : vector<1x128xf32>
      %logistic3A_42 = math.exp %logistic3A_41 : vector<1x128xf32>
      %logistic3A_43 = arith.constant 1.000000e+00 : f32
      %logistic3A_44 = vector.broadcast %logistic3A_43 : f32 to vector<1x128xf32>
      %logistic3A_45 = arith.addf %logistic3A_44, %logistic3A_42 : vector<1x128xf32>
      %logistic3A_46 = arith.divf %logistic3A_44, %logistic3A_45 : vector<1x128xf32>
      %mul3A = arith.mulf %logistic3A_38, %scan3A_22 : vector<1x128xf32>
      %mul3A_47 = arith.mulf %logistic3A_31, %tanh3A : vector<1x128xf32>
      %add3A_48 = arith.addf %mul3A, %mul3A_47 : vector<1x128xf32>
      %tanh3A_49 = math.tanh %add3A_48 : vector<1x128xf32>
      %mul3A_50 = arith.mulf %logistic3A_46, %tanh3A_49 : vector<1x128xf32>
      %swap3A_51 = arith.index_cast %scan3A_20 : i32 to index
      %swap3A_52 = arith.constant 0 : index
      %swap3A_53 = vector.load %arg3[%swap3A_51, %swap3A_52] : memref<400x128xf32, #tpu.memory_space<vmem>>, vector<1x128xf32>
      tpu.vector_store %arg3[%swap3A_51, %swap3A_52], %mul3A_50 {strides = array<i32>} : memref<400x128xf32, #tpu.memory_space<vmem>>, vector<1x128xf32>,
      %scan3A_54 = arith.constant 1 : i32
      %scan3A_55 = arith.addi %scan3A_20, %scan3A_54 : i32
      %get3A_56 = arith.index_cast %scan3A_55 : i32 to index
      %get3A_57 = arith.constant 0 : index
      %get3A_58 = vector.load %arg1[%get3A_56, %get3A_57] : memref<400x512xf32, #tpu.memory_space<vmem>>, vector<1x512xf32>
      %dot_general3A_59 = arith.constant dense<0.000000e+00> : vector<1x512xf32>
      %dot_general3A_60 = tpu.matmul %mul3A_50, %get3A_3, %dot_general3A_59 {dimension_numbers = #tpu.dot_dimension_numbers<[1], [0], [0], [1], [0, 0, 1, 1], [], []>, transpose_lhs_hint = false} : vector<1x128xf32>, vector<128x512xf32>, vector<1x512xf32> -> vector<1x512xf32>
      %add3A_61 = arith.addf %get3A_58, %dot_general3A_60 : vector<1x512xf32>
      %slice3A_62 = vector.extract_strided_slice %add3A_61 {offsets = [0, 0], sizes = [1, 128], strides = [1, 1]} : vector<1x512xf32> to vector<1x128xf32>
      %logistic3A_63 = arith.negf %slice3A_62 : vector<1x128xf32>
      %logistic3A_64 = math.exp %logistic3A_63 : vector<1x128xf32>
      %logistic3A_65 = arith.constant 1.000000e+00 : f32
      %logistic3A_66 = vector.broadcast %logistic3A_65 : f32 to vector<1x128xf32>
      %logistic3A_67 = arith.addf %logistic3A_66, %logistic3A_64 : vector<1x128xf32>
      %logistic3A_68 = arith.divf %logistic3A_66, %logistic3A_67 : vector<1x128xf32>
      %slice3A_69 = vector.extract_strided_slice %add3A_61 {offsets = [0, 128], sizes = [1, 128], strides = [1, 1]} : vector<1x512xf32> to vector<1x128xf32>
      %logistic3A_70 = arith.negf %slice3A_69 : vector<1x128xf32>
      %logistic3A_71 = math.exp %logistic3A_70 : vector<1x128xf32>
      %logistic3A_72 = arith.constant 1.000000e+00 : f32
      %logistic3A_73 = vector.broadcast %logistic3A_72 : f32 to vector<1x128xf32>
      %logistic3A_74 = arith.addf %logistic3A_73, %logistic3A_71 : vector<1x128xf32>
      %logistic3A_75 = arith.divf %logistic3A_73, %logistic3A_74 : vector<1x128xf32>
      %slice3A_76 = vector.extract_strided_slice %add3A_61 {offsets = [0, 256], sizes = [1, 128], strides = [1, 1]} : vector<1x512xf32> to vector<1x128xf32>
      %tanh3A_77 = math.tanh %slice3A_76 : vector<1x128xf32>
      %slice3A_78 = vector.extract_strided_slice %add3A_61 {offsets = [0, 384], sizes = [1, 128], strides = [1, 1]} : vector<1x512xf32> to vector<1x128xf32>
      %logistic3A_79 = arith.negf %slice3A_78 : vector<1x128xf32>
      %logistic3A_80 = math.exp %logistic3A_79 : vector<1x128xf32>
      %logistic3A_81 = arith.constant 1.000000e+00 : f32
      %logistic3A_82 = vector.broadcast %logistic3A_81 : f32 to vector<1x128xf32>
      %logistic3A_83 = arith.addf %logistic3A_82, %logistic3A_80 : vector<1x128xf32>
      %logistic3A_84 = arith.divf %logistic3A_82, %logistic3A_83 : vector<1x128xf32>
      %mul3A_85 = arith.mulf %logistic3A_75, %add3A_48 : vector<1x128xf32>
      %mul3A_86 = arith.mulf %logistic3A_68, %tanh3A_77 : vector<1x128xf32>
      %add3A_87 = arith.addf %mul3A_85, %mul3A_86 : vector<1x128xf32>
      %tanh3A_88 = math.tanh %add3A_87 : vector<1x128xf32>
      %mul3A_89 = arith.mulf %logistic3A_84, %tanh3A_88 : vector<1x128xf32>
      %swap3A_90 = arith.index_cast %scan3A_55 : i32 to index
      %swap3A_91 = arith.constant 0 : index
      %swap3A_92 = vector.load %arg3[%swap3A_90, %swap3A_91] : memref<400x128xf32, #tpu.memory_space<vmem>>, vector<1x128xf32>
      tpu.vector_store %arg3[%swap3A_90, %swap3A_91], %mul3A_89 {strides = array<i32>} : memref<400x128xf32, #tpu.memory_space<vmem>>, vector<1x128xf32>,
      %scan3A_93 = arith.constant 2 : i32
      %scan3A_94 = arith.addi %scan3A_20, %scan3A_93 : i32
      %get3A_95 = arith.index_cast %scan3A_94 : i32 to index
      %get3A_96 = arith.constant 0 : index
      %get3A_97 = vector.load %arg1[%get3A_95, %get3A_96] : memref<400x512xf32, #tpu.memory_space<vmem>>, vector<1x512xf32>
      %dot_general3A_98 = arith.constant dense<0.000000e+00> : vector<1x512xf32>
      %dot_general3A_99 = tpu.matmul %mul3A_89, %get3A_3, %dot_general3A_98 {dimension_numbers = #tpu.dot_dimension_numbers<[1], [0], [0], [1], [0, 0, 1, 1], [], []>, transpose_lhs_hint = false} : vector<1x128xf32>, vector<128x512xf32>, vector<1x512xf32> -> vector<1x512xf32>
      %add3A_100 = arith.addf %get3A_97, %dot_general3A_99 : vector<1x512xf32>
      %slice3A_101 = vector.extract_strided_slice %add3A_100 {offsets = [0, 0], sizes = [1, 128], strides = [1, 1]} : vector<1x512xf32> to vector<1x128xf32>
      %logistic3A_102 = arith.negf %slice3A_101 : vector<1x128xf32>
      %logistic3A_103 = math.exp %logistic3A_102 : vector<1x128xf32>
      %logistic3A_104 = arith.constant 1.000000e+00 : f32
      %logistic3A_105 = vector.broadcast %logistic3A_104 : f32 to vector<1x128xf32>
      %logistic3A_106 = arith.addf %logistic3A_105, %logistic3A_103 : vector<1x128xf32>
      %logistic3A_107 = arith.divf %logistic3A_105, %logistic3A_106 : vector<1x128xf32>
      %slice3A_108 = vector.extract_strided_slice %add3A_100 {offsets = [0, 128], sizes = [1, 128], strides = [1, 1]} : vector<1x512xf32> to vector<1x128xf32>
      %logistic3A_109 = arith.negf %slice3A_108 : vector<1x128xf32>
      %logistic3A_110 = math.exp %logistic3A_109 : vector<1x128xf32>
      %logistic3A_111 = arith.constant 1.000000e+00 : f32
      %logistic3A_112 = vector.broadcast %logistic3A_111 : f32 to vector<1x128xf32>
      %logistic3A_113 = arith.addf %logistic3A_112, %logistic3A_110 : vector<1x128xf32>
      %logistic3A_114 = arith.divf %logistic3A_112, %logistic3A_113 : vector<1x128xf32>
      %slice3A_115 = vector.extract_strided_slice %add3A_100 {offsets = [0, 256], sizes = [1, 128], strides = [1, 1]} : vector<1x512xf32> to vector<1x128xf32>
      %tanh3A_116 = math.tanh %slice3A_115 : vector<1x128xf32>
      %slice3A_117 = vector.extract_strided_slice %add3A_100 {offsets = [0, 384], sizes = [1, 128], strides = [1, 1]} : vector<1x512xf32> to vector<1x128xf32>
      %logistic3A_118 = arith.negf %slice3A_117 : vector<1x128xf32>
      %logistic3A_119 = math.exp %logistic3A_118 : vector<1x128xf32>
      %logistic3A_120 = arith.constant 1.000000e+00 : f32
      %logistic3A_121 = vector.broadcast %logistic3A_120 : f32 to vector<1x128xf32>
      %logistic3A_122 = arith.addf %logistic3A_121, %logistic3A_119 : vector<1x128xf32>
      %logistic3A_123 = arith.divf %logistic3A_121, %logistic3A_122 : vector<1x128xf32>
      %mul3A_124 = arith.mulf %logistic3A_114, %add3A_87 : vector<1x128xf32>
      %mul3A_125 = arith.mulf %logistic3A_107, %tanh3A_116 : vector<1x128xf32>
      %add3A_126 = arith.addf %mul3A_124, %mul3A_125 : vector<1x128xf32>
      %tanh3A_127 = math.tanh %add3A_126 : vector<1x128xf32>
      %mul3A_128 = arith.mulf %logistic3A_123, %tanh3A_127 : vector<1x128xf32>
      %swap3A_129 = arith.index_cast %scan3A_94 : i32 to index
      %swap3A_130 = arith.constant 0 : index
      %swap3A_131 = vector.load %arg3[%swap3A_129, %swap3A_130] : memref<400x128xf32, #tpu.memory_space<vmem>>, vector<1x128xf32>
      tpu.vector_store %arg3[%swap3A_129, %swap3A_130], %mul3A_128 {strides = array<i32>} : memref<400x128xf32, #tpu.memory_space<vmem>>, vector<1x128xf32>,
      %scan3A_132 = arith.constant 3 : i32
      %scan3A_133 = arith.addi %scan3A_20, %scan3A_132 : i32
      %get3A_134 = arith.index_cast %scan3A_133 : i32 to index
      %get3A_135 = arith.constant 0 : index
      %get3A_136 = vector.load %arg1[%get3A_134, %get3A_135] : memref<400x512xf32, #tpu.memory_space<vmem>>, vector<1x512xf32>
      %dot_general3A_137 = arith.constant dense<0.000000e+00> : vector<1x512xf32>
      %dot_general3A_138 = tpu.matmul %mul3A_128, %get3A_3, %dot_general3A_137 {dimension_numbers = #tpu.dot_dimension_numbers<[1], [0], [0], [1], [0, 0, 1, 1], [], []>, transpose_lhs_hint = false} : vector<1x128xf32>, vector<128x512xf32>, vector<1x512xf32> -> vector<1x512xf32>
      %add3A_139 = arith.addf %get3A_136, %dot_general3A_138 : vector<1x512xf32>
      %slice3A_140 = vector.extract_strided_slice %add3A_139 {offsets = [0, 0], sizes = [1, 128], strides = [1, 1]} : vector<1x512xf32> to vector<1x128xf32>
      %logistic3A_141 = arith.negf %slice3A_140 : vector<1x128xf32>
      %logistic3A_142 = math.exp %logistic3A_141 : vector<1x128xf32>
      %logistic3A_143 = arith.constant 1.000000e+00 : f32
      %logistic3A_144 = vector.broadcast %logistic3A_143 : f32 to vector<1x128xf32>
      %logistic3A_145 = arith.addf %logistic3A_144, %logistic3A_142 : vector<1x128xf32>
      %logistic3A_146 = arith.divf %logistic3A_144, %logistic3A_145 : vector<1x128xf32>
      %slice3A_147 = vector.extract_strided_slice %add3A_139 {offsets = [0, 128], sizes = [1, 128], strides = [1, 1]} : vector<1x512xf32> to vector<1x128xf32>
      %logistic3A_148 = arith.negf %slice3A_147 : vector<1x128xf32>
      %logistic3A_149 = math.exp %logistic3A_148 : vector<1x128xf32>
      %logistic3A_150 = arith.constant 1.000000e+00 : f32
      %logistic3A_151 = vector.broadcast %logistic3A_150 : f32 to vector<1x128xf32>
      %logistic3A_152 = arith.addf %logistic3A_151, %logistic3A_149 : vector<1x128xf32>
      %logistic3A_153 = arith.divf %logistic3A_151, %logistic3A_152 : vector<1x128xf32>
      %slice3A_154 = vector.extract_strided_slice %add3A_139 {offsets = [0, 256], sizes = [1, 128], strides = [1, 1]} : vector<1x512xf32> to vector<1x128xf32>
      %tanh3A_155 = math.tanh %slice3A_154 : vector<1x128xf32>
      %slice3A_156 = vector.extract_strided_slice %add3A_139 {offsets = [0, 384], sizes = [1, 128], strides = [1, 1]} : vector<1x512xf32> to vector<1x128xf32>
      %logistic3A_157 = arith.negf %slice3A_156 : vector<1x128xf32>
      %logistic3A_158 = math.exp %logistic3A_157 : vector<1x128xf32>
      %logistic3A_159 = arith.constant 1.000000e+00 : f32
      %logistic3A_160 = vector.broadcast %logistic3A_159 : f32 to vector<1x128xf32>
      %logistic3A_161 = arith.addf %logistic3A_160, %logistic3A_158 : vector<1x128xf32>
      %logistic3A_162 = arith.divf %logistic3A_160, %logistic3A_161 : vector<1x128xf32>
      %mul3A_163 = arith.mulf %logistic3A_153, %add3A_126 : vector<1x128xf32>
      %mul3A_164 = arith.mulf %logistic3A_146, %tanh3A_155 : vector<1x128xf32>
      %add3A_165 = arith.addf %mul3A_163, %mul3A_164 : vector<1x128xf32>
      %tanh3A_166 = math.tanh %add3A_165 : vector<1x128xf32>
      %mul3A_167 = arith.mulf %logistic3A_162, %tanh3A_166 : vector<1x128xf32>
      %swap3A_168 = arith.index_cast %scan3A_133 : i32 to index
      %swap3A_169 = arith.constant 0 : index
      %swap3A_170 = vector.load %arg3[%swap3A_168, %swap3A_169] : memref<400x128xf32, #tpu.memory_space<vmem>>, vector<1x128xf32>
      tpu.vector_store %arg3[%swap3A_168, %swap3A_169], %mul3A_167 {strides = array<i32>} : memref<400x128xf32, #tpu.memory_space<vmem>>, vector<1x128xf32>,
      %scan3A_171 = arith.constant 4 : i32
      %scan3A_172 = arith.addi %scan3A_20, %scan3A_171 : i32
      %get3A_173 = arith.index_cast %scan3A_172 : i32 to index
      %get3A_174 = arith.constant 0 : index
      %get3A_175 = vector.load %arg1[%get3A_173, %get3A_174] : memref<400x512xf32, #tpu.memory_space<vmem>>, vector<1x512xf32>
      %dot_general3A_176 = arith.constant dense<0.000000e+00> : vector<1x512xf32>
      %dot_general3A_177 = tpu.matmul %mul3A_167, %get3A_3, %dot_general3A_176 {dimension_numbers = #tpu.dot_dimension_numbers<[1], [0], [0], [1], [0, 0, 1, 1], [], []>, transpose_lhs_hint = false} : vector<1x128xf32>, vector<128x512xf32>, vector<1x512xf32> -> vector<1x512xf32>
      %add3A_178 = arith.addf %get3A_175, %dot_general3A_177 : vector<1x512xf32>
      %slice3A_179 = vector.extract_strided_slice %add3A_178 {offsets = [0, 0], sizes = [1, 128], strides = [1, 1]} : vector<1x512xf32> to vector<1x128xf32>
      %logistic3A_180 = arith.negf %slice3A_179 : vector<1x128xf32>
      %logistic3A_181 = math.exp %logistic3A_180 : vector<1x128xf32>
      %logistic3A_182 = arith.constant 1.000000e+00 : f32
      %logistic3A_183 = vector.broadcast %logistic3A_182 : f32 to vector<1x128xf32>
      %logistic3A_184 = arith.addf %logistic3A_183, %logistic3A_181 : vector<1x128xf32>
      %logistic3A_185 = arith.divf %logistic3A_183, %logistic3A_184 : vector<1x128xf32>
      %slice3A_186 = vector.extract_strided_slice %add3A_178 {offsets = [0, 128], sizes = [1, 128], strides = [1, 1]} : vector<1x512xf32> to vector<1x128xf32>
      %logistic3A_187 = arith.negf %slice3A_186 : vector<1x128xf32>
      %logistic3A_188 = math.exp %logistic3A_187 : vector<1x128xf32>
      %logistic3A_189 = arith.constant 1.000000e+00 : f32
      %logistic3A_190 = vector.broadcast %logistic3A_189 : f32 to vector<1x128xf32>
      %logistic3A_191 = arith.addf %logistic3A_190, %logistic3A_188 : vector<1x128xf32>
      %logistic3A_192 = arith.divf %logistic3A_190, %logistic3A_191 : vector<1x128xf32>
      %slice3A_193 = vector.extract_strided_slice %add3A_178 {offsets = [0, 256], sizes = [1, 128], strides = [1, 1]} : vector<1x512xf32> to vector<1x128xf32>
      %tanh3A_194 = math.tanh %slice3A_193 : vector<1x128xf32>
      %slice3A_195 = vector.extract_strided_slice %add3A_178 {offsets = [0, 384], sizes = [1, 128], strides = [1, 1]} : vector<1x512xf32> to vector<1x128xf32>
      %logistic3A_196 = arith.negf %slice3A_195 : vector<1x128xf32>
      %logistic3A_197 = math.exp %logistic3A_196 : vector<1x128xf32>
      %logistic3A_198 = arith.constant 1.000000e+00 : f32
      %logistic3A_199 = vector.broadcast %logistic3A_198 : f32 to vector<1x128xf32>
      %logistic3A_200 = arith.addf %logistic3A_199, %logistic3A_197 : vector<1x128xf32>
      %logistic3A_201 = arith.divf %logistic3A_199, %logistic3A_200 : vector<1x128xf32>
      %mul3A_202 = arith.mulf %logistic3A_192, %add3A_165 : vector<1x128xf32>
      %mul3A_203 = arith.mulf %logistic3A_185, %tanh3A_194 : vector<1x128xf32>
      %add3A_204 = arith.addf %mul3A_202, %mul3A_203 : vector<1x128xf32>
      %tanh3A_205 = math.tanh %add3A_204 : vector<1x128xf32>
      %mul3A_206 = arith.mulf %logistic3A_201, %tanh3A_205 : vector<1x128xf32>
      %swap3A_207 = arith.index_cast %scan3A_172 : i32 to index
      %swap3A_208 = arith.constant 0 : index
      %swap3A_209 = vector.load %arg3[%swap3A_207, %swap3A_208] : memref<400x128xf32, #tpu.memory_space<vmem>>, vector<1x128xf32>
      tpu.vector_store %arg3[%swap3A_207, %swap3A_208], %mul3A_206 {strides = array<i32>} : memref<400x128xf32, #tpu.memory_space<vmem>>, vector<1x128xf32>,
      %scan3A_210 = arith.constant 5 : i32
      %scan3A_211 = arith.addi %scan3A_20, %scan3A_210 : i32
      %get3A_212 = arith.index_cast %scan3A_211 : i32 to index
      %get3A_213 = arith.constant 0 : index
      %get3A_214 = vector.load %arg1[%get3A_212, %get3A_213] : memref<400x512xf32, #tpu.memory_space<vmem>>, vector<1x512xf32>
      %dot_general3A_215 = arith.constant dense<0.000000e+00> : vector<1x512xf32>
      %dot_general3A_216 = tpu.matmul %mul3A_206, %get3A_3, %dot_general3A_215 {dimension_numbers = #tpu.dot_dimension_numbers<[1], [0], [0], [1], [0, 0, 1, 1], [], []>, transpose_lhs_hint = false} : vector<1x128xf32>, vector<128x512xf32>, vector<1x512xf32> -> vector<1x512xf32>
      %add3A_217 = arith.addf %get3A_214, %dot_general3A_216 : vector<1x512xf32>
      %slice3A_218 = vector.extract_strided_slice %add3A_217 {offsets = [0, 0], sizes = [1, 128], strides = [1, 1]} : vector<1x512xf32> to vector<1x128xf32>
      %logistic3A_219 = arith.negf %slice3A_218 : vector<1x128xf32>
      %logistic3A_220 = math.exp %logistic3A_219 : vector<1x128xf32>
      %logistic3A_221 = arith.constant 1.000000e+00 : f32
      %logistic3A_222 = vector.broadcast %logistic3A_221 : f32 to vector<1x128xf32>
      %logistic3A_223 = arith.addf %logistic3A_222, %logistic3A_220 : vector<1x128xf32>
      %logistic3A_224 = arith.divf %logistic3A_222, %logistic3A_223 : vector<1x128xf32>
      %slice3A_225 = vector.extract_strided_slice %add3A_217 {offsets = [0, 128], sizes = [1, 128], strides = [1, 1]} : vector<1x512xf32> to vector<1x128xf32>
      %logistic3A_226 = arith.negf %slice3A_225 : vector<1x128xf32>
      %logistic3A_227 = math.exp %logistic3A_226 : vector<1x128xf32>
      %logistic3A_228 = arith.constant 1.000000e+00 : f32
      %logistic3A_229 = vector.broadcast %logistic3A_228 : f32 to vector<1x128xf32>
      %logistic3A_230 = arith.addf %logistic3A_229, %logistic3A_227 : vector<1x128xf32>
      %logistic3A_231 = arith.divf %logistic3A_229, %logistic3A_230 : vector<1x128xf32>
      %slice3A_232 = vector.extract_strided_slice %add3A_217 {offsets = [0, 256], sizes = [1, 128], strides = [1, 1]} : vector<1x512xf32> to vector<1x128xf32>
      %tanh3A_233 = math.tanh %slice3A_232 : vector<1x128xf32>
      %slice3A_234 = vector.extract_strided_slice %add3A_217 {offsets = [0, 384], sizes = [1, 128], strides = [1, 1]} : vector<1x512xf32> to vector<1x128xf32>
      %logistic3A_235 = arith.negf %slice3A_234 : vector<1x128xf32>
      %logistic3A_236 = math.exp %logistic3A_235 : vector<1x128xf32>
      %logistic3A_237 = arith.constant 1.000000e+00 : f32
      %logistic3A_238 = vector.broadcast %logistic3A_237 : f32 to vector<1x128xf32>
      %logistic3A_239 = arith.addf %logistic3A_238, %logistic3A_236 : vector<1x128xf32>
      %logistic3A_240 = arith.divf %logistic3A_238, %logistic3A_239 : vector<1x128xf32>
      %mul3A_241 = arith.mulf %logistic3A_231, %add3A_204 : vector<1x128xf32>
      %mul3A_242 = arith.mulf %logistic3A_224, %tanh3A_233 : vector<1x128xf32>
      %add3A_243 = arith.addf %mul3A_241, %mul3A_242 : vector<1x128xf32>
      %tanh3A_244 = math.tanh %add3A_243 : vector<1x128xf32>
      %mul3A_245 = arith.mulf %logistic3A_240, %tanh3A_244 : vector<1x128xf32>
      %swap3A_246 = arith.index_cast %scan3A_211 : i32 to index
      %swap3A_247 = arith.constant 0 : index
      %swap3A_248 = vector.load %arg3[%swap3A_246, %swap3A_247] : memref<400x128xf32, #tpu.memory_space<vmem>>, vector<1x128xf32>
      tpu.vector_store %arg3[%swap3A_246, %swap3A_247], %mul3A_245 {strides = array<i32>} : memref<400x128xf32, #tpu.memory_space<vmem>>, vector<1x128xf32>,
      %scan3A_249 = arith.constant 6 : i32
      %scan3A_250 = arith.addi %scan3A_20, %scan3A_249 : i32
      %get3A_251 = arith.index_cast %scan3A_250 : i32 to index
      %get3A_252 = arith.constant 0 : index
      %get3A_253 = vector.load %arg1[%get3A_251, %get3A_252] : memref<400x512xf32, #tpu.memory_space<vmem>>, vector<1x512xf32>
      %dot_general3A_254 = arith.constant dense<0.000000e+00> : vector<1x512xf32>
      %dot_general3A_255 = tpu.matmul %mul3A_245, %get3A_3, %dot_general3A_254 {dimension_numbers = #tpu.dot_dimension_numbers<[1], [0], [0], [1], [0, 0, 1, 1], [], []>, transpose_lhs_hint = false} : vector<1x128xf32>, vector<128x512xf32>, vector<1x512xf32> -> vector<1x512xf32>
      %add3A_256 = arith.addf %get3A_253, %dot_general3A_255 : vector<1x512xf32>
      %slice3A_257 = vector.extract_strided_slice %add3A_256 {offsets = [0, 0], sizes = [1, 128], strides = [1, 1]} : vector<1x512xf32> to vector<1x128xf32>
      %logistic3A_258 = arith.negf %slice3A_257 : vector<1x128xf32>
      %logistic3A_259 = math.exp %logistic3A_258 : vector<1x128xf32>
      %logistic3A_260 = arith.constant 1.000000e+00 : f32
      %logistic3A_261 = vector.broadcast %logistic3A_260 : f32 to vector<1x128xf32>
      %logistic3A_262 = arith.addf %logistic3A_261, %logistic3A_259 : vector<1x128xf32>
      %logistic3A_263 = arith.divf %logistic3A_261, %logistic3A_262 : vector<1x128xf32>
      %slice3A_264 = vector.extract_strided_slice %add3A_256 {offsets = [0, 128], sizes = [1, 128], strides = [1, 1]} : vector<1x512xf32> to vector<1x128xf32>
      %logistic3A_265 = arith.negf %slice3A_264 : vector<1x128xf32>
      %logistic3A_266 = math.exp %logistic3A_265 : vector<1x128xf32>
      %logistic3A_267 = arith.constant 1.000000e+00 : f32
      %logistic3A_268 = vector.broadcast %logistic3A_267 : f32 to vector<1x128xf32>
      %logistic3A_269 = arith.addf %logistic3A_268, %logistic3A_266 : vector<1x128xf32>
      %logistic3A_270 = arith.divf %logistic3A_268, %logistic3A_269 : vector<1x128xf32>
      %slice3A_271 = vector.extract_strided_slice %add3A_256 {offsets = [0, 256], sizes = [1, 128], strides = [1, 1]} : vector<1x512xf32> to vector<1x128xf32>
      %tanh3A_272 = math.tanh %slice3A_271 : vector<1x128xf32>
      %slice3A_273 = vector.extract_strided_slice %add3A_256 {offsets = [0, 384], sizes = [1, 128], strides = [1, 1]} : vector<1x512xf32> to vector<1x128xf32>
      %logistic3A_274 = arith.negf %slice3A_273 : vector<1x128xf32>
      %logistic3A_275 = math.exp %logistic3A_274 : vector<1x128xf32>
      %logistic3A_276 = arith.constant 1.000000e+00 : f32
      %logistic3A_277 = vector.broadcast %logistic3A_276 : f32 to vector<1x128xf32>
      %logistic3A_278 = arith.addf %logistic3A_277, %logistic3A_275 : vector<1x128xf32>
      %logistic3A_279 = arith.divf %logistic3A_277, %logistic3A_278 : vector<1x128xf32>
      %mul3A_280 = arith.mulf %logistic3A_270, %add3A_243 : vector<1x128xf32>
      %mul3A_281 = arith.mulf %logistic3A_263, %tanh3A_272 : vector<1x128xf32>
      %add3A_282 = arith.addf %mul3A_280, %mul3A_281 : vector<1x128xf32>
      %tanh3A_283 = math.tanh %add3A_282 : vector<1x128xf32>
      %mul3A_284 = arith.mulf %logistic3A_279, %tanh3A_283 : vector<1x128xf32>
      %swap3A_285 = arith.index_cast %scan3A_250 : i32 to index
      %swap3A_286 = arith.constant 0 : index
      %swap3A_287 = vector.load %arg3[%swap3A_285, %swap3A_286] : memref<400x128xf32, #tpu.memory_space<vmem>>, vector<1x128xf32>
      tpu.vector_store %arg3[%swap3A_285, %swap3A_286], %mul3A_284 {strides = array<i32>} : memref<400x128xf32, #tpu.memory_space<vmem>>, vector<1x128xf32>,
      %scan3A_288 = arith.constant 7 : i32
      %scan3A_289 = arith.addi %scan3A_20, %scan3A_288 : i32
      %get3A_290 = arith.index_cast %scan3A_289 : i32 to index
      %get3A_291 = arith.constant 0 : index
      %get3A_292 = vector.load %arg1[%get3A_290, %get3A_291] : memref<400x512xf32, #tpu.memory_space<vmem>>, vector<1x512xf32>
      %dot_general3A_293 = arith.constant dense<0.000000e+00> : vector<1x512xf32>
      %dot_general3A_294 = tpu.matmul %mul3A_284, %get3A_3, %dot_general3A_293 {dimension_numbers = #tpu.dot_dimension_numbers<[1], [0], [0], [1], [0, 0, 1, 1], [], []>, transpose_lhs_hint = false} : vector<1x128xf32>, vector<128x512xf32>, vector<1x512xf32> -> vector<1x512xf32>
      %add3A_295 = arith.addf %get3A_292, %dot_general3A_294 : vector<1x512xf32>
      %slice3A_296 = vector.extract_strided_slice %add3A_295 {offsets = [0, 0], sizes = [1, 128], strides = [1, 1]} : vector<1x512xf32> to vector<1x128xf32>
      %logistic3A_297 = arith.negf %slice3A_296 : vector<1x128xf32>
      %logistic3A_298 = math.exp %logistic3A_297 : vector<1x128xf32>
      %logistic3A_299 = arith.constant 1.000000e+00 : f32
      %logistic3A_300 = vector.broadcast %logistic3A_299 : f32 to vector<1x128xf32>
      %logistic3A_301 = arith.addf %logistic3A_300, %logistic3A_298 : vector<1x128xf32>
      %logistic3A_302 = arith.divf %logistic3A_300, %logistic3A_301 : vector<1x128xf32>
      %slice3A_303 = vector.extract_strided_slice %add3A_295 {offsets = [0, 128], sizes = [1, 128], strides = [1, 1]} : vector<1x512xf32> to vector<1x128xf32>
      %logistic3A_304 = arith.negf %slice3A_303 : vector<1x128xf32>
      %logistic3A_305 = math.exp %logistic3A_304 : vector<1x128xf32>
      %logistic3A_306 = arith.constant 1.000000e+00 : f32
      %logistic3A_307 = vector.broadcast %logistic3A_306 : f32 to vector<1x128xf32>
      %logistic3A_308 = arith.addf %logistic3A_307, %logistic3A_305 : vector<1x128xf32>
      %logistic3A_309 = arith.divf %logistic3A_307, %logistic3A_308 : vector<1x128xf32>
      %slice3A_310 = vector.extract_strided_slice %add3A_295 {offsets = [0, 256], sizes = [1, 128], strides = [1, 1]} : vector<1x512xf32> to vector<1x128xf32>
      %tanh3A_311 = math.tanh %slice3A_310 : vector<1x128xf32>
      %slice3A_312 = vector.extract_strided_slice %add3A_295 {offsets = [0, 384], sizes = [1, 128], strides = [1, 1]} : vector<1x512xf32> to vector<1x128xf32>
      %logistic3A_313 = arith.negf %slice3A_312 : vector<1x128xf32>
      %logistic3A_314 = math.exp %logistic3A_313 : vector<1x128xf32>
      %logistic3A_315 = arith.constant 1.000000e+00 : f32
      %logistic3A_316 = vector.broadcast %logistic3A_315 : f32 to vector<1x128xf32>
      %logistic3A_317 = arith.addf %logistic3A_316, %logistic3A_314 : vector<1x128xf32>
      %logistic3A_318 = arith.divf %logistic3A_316, %logistic3A_317 : vector<1x128xf32>
      %mul3A_319 = arith.mulf %logistic3A_309, %add3A_282 : vector<1x128xf32>
      %mul3A_320 = arith.mulf %logistic3A_302, %tanh3A_311 : vector<1x128xf32>
      %add3A_321 = arith.addf %mul3A_319, %mul3A_320 : vector<1x128xf32>
      %tanh3A_322 = math.tanh %add3A_321 : vector<1x128xf32>
      %mul3A_323 = arith.mulf %logistic3A_318, %tanh3A_322 : vector<1x128xf32>
      %swap3A_324 = arith.index_cast %scan3A_289 : i32 to index
      %swap3A_325 = arith.constant 0 : index
      %swap3A_326 = vector.load %arg3[%swap3A_324, %swap3A_325] : memref<400x128xf32, #tpu.memory_space<vmem>>, vector<1x128xf32>
      tpu.vector_store %arg3[%swap3A_324, %swap3A_325], %mul3A_323 {strides = array<i32>} : memref<400x128xf32, #tpu.memory_space<vmem>>, vector<1x128xf32>,
      scf.yield %mul3A_323, %add3A_321 : vector<1x128xf32>, vector<1x128xf32>
    }
    %scan3A_14 = arith.constant 400 : i32
    %swap3A = arith.constant 0 : index
    %swap3A_15 = arith.constant 0 : index
    %swap3A_16 = vector.load %arg4[%swap3A, %swap3A_15] : memref<8x128xf32, #tpu.memory_space<vmem>>, vector<1x128xf32>
    tpu.vector_store %arg4[%swap3A, %swap3A_15], %scan3A_13#0 {strides = array<i32>} : memref<8x128xf32, #tpu.memory_space<vmem>>, vector<1x128xf32>,
    %swap3A_17 = arith.constant 0 : index
    %swap3A_18 = arith.constant 0 : index
    %swap3A_19 = vector.load %arg5[%swap3A_17, %swap3A_18] : memref<8x128xf32, #tpu.memory_space<vmem>>, vector<1x128xf32>
    tpu.vector_store %arg5[%swap3A_17, %swap3A_18], %scan3A_13#1 {strides = array<i32>} : memref<8x128xf32, #tpu.memory_space<vmem>>, vector<1x128xf32>,
    return
  }
  func.func @transform_0(%arg0: i32) -> (i32, i32) {
    %c0_i32 = arith.constant 0 : i32
    %c0_i32_0 = arith.constant 0 : i32
    return %arg0, %c0_i32 : i32, i32
  }
  func.func @transform_1(%arg0: i32) -> (i32, i32) {
    %c0_i32 = arith.constant 0 : i32
    %c0_i32_0 = arith.constant 0 : i32
    %c0_i32_1 = arith.constant 0 : i32
    return %c0_i32, %c0_i32_0 : i32, i32
  }
  func.func @transform_2(%arg0: i32) -> (i32, i32) {
    %c0_i32 = arith.constant 0 : i32
    %c0_i32_0 = arith.constant 0 : i32
    return %arg0, %c0_i32 : i32, i32
  }
}

module attributes {stable_mosaic.version = 14 : i64} {
  func.func @body(%arg0: i32, %arg1: memref<1000x128xf32, #tpu.memory_space<vmem>>, %arg2: memref<128x2xf32, #tpu.memory_space<vmem>>, %arg3: memref<1x2xf32, #tpu.memory_space<vmem>>, %arg4: memref<1000x2xf32, #tpu.memory_space<vmem>>) attributes {dimension_semantics = [#tpu.dimension_semantics<arbitrary>], iteration_bounds = array<i64: 10>, scalar_prefetch = 0 : i64, scratch_operands = 0 : i64, tpu.core_type = #tpu.core_type<tc>, window_params = [{transform_indices = @transform_0, window_bounds = array<i64: 1000, 128>}, {pipeline_mode = #tpu.pipeline_mode<synchronous>, transform_indices = @transform_1, window_bounds = array<i64: 128, 2>}, {pipeline_mode = #tpu.pipeline_mode<synchronous>, transform_indices = @transform_2, window_bounds = array<i64: 1, 2>}, {transform_indices = @transform_3, window_bounds = array<i64: 1000, 2>}]} {
    %get3A = arith.constant 0 : index
    %get3A_0 = arith.constant 0 : index
    %get3A_1 = vector.load %arg1[%get3A, %get3A_0] : memref<1000x128xf32, #tpu.memory_space<vmem>>, vector<1000x128xf32>
    %get3A_2 = arith.constant 0 : index
    %get3A_3 = arith.constant 0 : index
    %get3A_4 = vector.load %arg2[%get3A_2, %get3A_3] : memref<128x2xf32, #tpu.memory_space<vmem>>, vector<128x2xf32>
    %dot_general3A = arith.constant dense<0.000000e+00> : vector<1000x2xf32>
    %dot_general3A_5 = tpu.matmul %get3A_1, %get3A_4, %dot_general3A {dimension_numbers = #tpu.dot_dimension_numbers<[1], [0], [0], [1], [0, 0, 1, 1], [], []>, transpose_lhs_hint = false} : vector<1000x128xf32>, vector<128x2xf32>, vector<1000x2xf32> -> vector<1000x2xf32>
    %get3A_6 = arith.constant 0 : index
    %get3A_7 = arith.constant 0 : index
    %get3A_8 = vector.load %arg3[%get3A_6, %get3A_7] : memref<1x2xf32, #tpu.memory_space<vmem>>, vector<1x2xf32>
    %add3A = vector.broadcast %get3A_8 : vector<1x2xf32> to vector<1000x2xf32>
    %add3A_9 = arith.addf %dot_general3A_5, %add3A : vector<1000x2xf32>
    %logistic3A = arith.negf %add3A_9 : vector<1000x2xf32>
    %logistic3A_10 = math.exp %logistic3A : vector<1000x2xf32>
    %logistic3A_11 = arith.constant 1.000000e+00 : f32
    %logistic3A_12 = vector.broadcast %logistic3A_11 : f32 to vector<1000x2xf32>
    %logistic3A_13 = arith.addf %logistic3A_12, %logistic3A_10 : vector<1000x2xf32>
    %logistic3A_14 = arith.divf %logistic3A_12, %logistic3A_13 : vector<1000x2xf32>
    %swap3A = arith.constant 0 : index
    %swap3A_15 = arith.constant 0 : index
    %swap3A_16 = vector.load %arg4[%swap3A, %swap3A_15] : memref<1000x2xf32, #tpu.memory_space<vmem>>, vector<1000x2xf32>
    tpu.vector_store %arg4[%swap3A, %swap3A_15], %logistic3A_14 {strides = array<i32>} : memref<1000x2xf32, #tpu.memory_space<vmem>>, vector<1000x2xf32>,
    return
  }
  func.func @transform_0(%arg0: i32) -> (i32, i32) {
    %c0_i32 = arith.constant 0 : i32
    %c0_i32_0 = arith.constant 0 : i32
    return %arg0, %c0_i32 : i32, i32
  }
  func.func @transform_1(%arg0: i32) -> (i32, i32) {
    %c0_i32 = arith.constant 0 : i32
    %c0_i32_0 = arith.constant 0 : i32
    %c0_i32_1 = arith.constant 0 : i32
    return %c0_i32, %c0_i32_0 : i32, i32
  }
  func.func @transform_2(%arg0: i32) -> (i32, i32) {
    %c0_i32 = arith.constant 0 : i32
    %c0_i32_0 = arith.constant 0 : i32
    %c0_i32_1 = arith.constant 0 : i32
    return %c0_i32, %c0_i32_0 : i32, i32
  }
  func.func @transform_3(%arg0: i32) -> (i32, i32) {
    %c0_i32 = arith.constant 0 : i32
    %c0_i32_0 = arith.constant 0 : i32
    return %arg0, %c0_i32 : i32, i32
  }
}

</mosaic_0001>

<sc_bundles>
// kernel: kernel.10.cloned.1.call-start
scs
__scs_entry_jumppad:
0x0: {  	(pc) =	sbr.rel $0x88, $3  }
0x1: {  	(tag) =	ssettag $0x0;
	lr =	simm.s32 $0x1  }
0x2: {  	[smem:$0x3F7D] =	sst lr;
	_ =	strace $0xD0000000  }
0x3: {  	_ = 	snop  }
0x4: {  	_ = 	snop  }
0x5: {  	_ = 	snop  }
0x6: {  	_ = 	snop  }
0x7: {  	_ = 	snop  }
__scs_overlays_trampoline_lowered:
0x8: {  	[smem:$0x3F8C] =	sst s0  }
0x9: {  	[smem:$0x3F8D] =	sst s1  }
0xa: {  	[smem:$0x3F8E] =	sst s2  }
0xb: {  	[smem:$0x3F8F] =	sst s3  }
0xc: {  	[smem:$0x3F90] =	sst s4  }
0xd: {  	[smem:$0x3F91] =	sst s5  }
0xe: {  	[smem:$0x3F92] =	sst s6  }
0xf: {  	[smem:$0x3F93] =	sst s7  }
0x10: {  	[smem:$0x3F94] =	sst s8  }
0x11: {  	[smem:$0x3F95] =	sst s9;
	s0 =	simm.s32 @!p0 $0x0  }
0x12: {  	s1 =	sld [smem:$0x3F7B];
	s0 =	simm.s32 @p0 $0x1  }
0x13: {  	[smem:$0x3F96] =	sst s0;
	s0 =	simm.s32 @!p1 $0x0  }
0x14: {  	s2 =	sld [smem:$0x3F7A];
	s0 =	simm.s32 @p1 $0x1  }
0x15: {  	[smem:$0x3F97] =	sst s0;
	s0 =	simm.s32 @!p2 $0x0  }
0x16: {  	s3 =	sld [smem:$0x3FDB];
	s0 =	simm.s32 @p2 $0x1  }
0x17: {  	s4 =	simm.s32 $0x1BF5;
	[smem:$0x3F99] =	sst s0  }
0x18: {  	s0 =	sld [smem:$0x3F7C];
	_ =	swait.ge [sflag:s4], $0x0  }
0x19: {  	s7 =	sld [smem:$0x3F7D]  }
0x1a: {  	s8 =	sadd.s32 $0xFFFFE003, lr  }
0x1b: {  	s9 =	sadd.s32 $0xFFFFFEF7, lr;
	s5 =	simm.s32 $0xFFFFFFFF;
	p2 =	slt.u32 s8, $0xFFFFF086  }
0x1c: {  	p1 =	slt.u32 s9, $0xF7A;
	s5 =	simm.s32 @!p2 $0x0  }
0x1d: {  	s5 =	simm.s32 @p1 $0x1;
	p0 =	seq.s32 s7, s2  }
0x1e: {  	s7 =	smul.u32 @!p0 $0xF7A, s2;
	p2 =	seq.s32 @!p0 s5, $0x0  }
0x1f: {  	s9 =	smul.u32 $0xF7A, s1;
	s8 =	simm.s32 @!p0 $0x1BF5;
	p2 =	por !p2, p0  }
0x20: {  	[sflag:s8] =	ssyncset.s32 @!p0 $0xFFFFF086;
	s6 =	sadd.s32 @!p0 s3, s7;
	s7 =	simm.s32 @!p0 $0x108  }
0x21: {  	s3 =	sadd.s32 s3, s9;
	s6 =	sadd.s32 @!p0 $0x88, s6;
	s7 =	simm.s32 @p2 $0x1082  }
0x22: {  	[simem:s7], [sflag:s8] =	dma.local @!p0 [hbm:s6], $0xF7A  }
0x23: {  	s9 =	sor.u32 $0xD0000000, s2;
	s6 =	simm.s32 $0x108;
	_ =	swait.ge @!p0 [sflag:s8], $0x0  }
0x24: {  	s3 =	sadd.s32 $0x88, s3;
	s6 =	simm.s32 @!p1 $0x1082;
	[sflag:s4] =	ssyncset.s32 $0xFFFFF086  }
0x25: {  	[simem:s6], [sflag:s4] =	dma.local [hbm:s3], $0xF7A  }
0x26: {  	[smem:$0x3F7D] =	sst s1;
	(tag) =	ssettag s2;
	_ =	strace s9  }
0x27: {  	s1 =	sld [smem:$0x3F8D]  }
0x28: {  	s2 =	sld [smem:$0x3F8E]  }
0x29: {  	s4 =	sld [smem:$0x3F90]  }
0x2a: {  	p0 =	seq.s32 s5, $0x0;
	s5 =	sld [smem:$0x3F91]  }
0x2b: {  	s6 =	sld [smem:$0x3F92]  }
0x2c: {  	s7 =	sld [smem:$0x3F93]  }
0x2d: {  	s3 =	simm.s32 $0x108;
	s8 =	sld [smem:$0x3F94]  }
0x2e: {  	s3 =	simm.s32 @!p0 $0x1082;
	s9 =	sld [smem:$0x3F95]  }
0x2f: {  	lr =	sadd.s32 s0, s3;
	s0 =	sld [smem:$0x3F8C]  }
0x30: {  	s3 =	sld [smem:$0x3F8F]  }
0x31: {  	[smem:$0x3F98] =	sst s10  }
0x32: {  	s10 =	sld [smem:$0x3F96];
	_ =	sdelay $0x3  }
0x33: {  	p0 =	seq.s32 s10, $0x1;
	s10 =	sld [smem:$0x3F98];
	_ =	sdelay $0x3  }
0x34: {  	[smem:$0x3F98] =	sst s10  }
0x35: {  	s10 =	sld [smem:$0x3F97];
	_ =	sdelay $0x3  }
0x36: {  	p1 =	seq.s32 s10, $0x1;
	s10 =	sld [smem:$0x3F98];
	_ =	sdelay $0x3  }
0x37: {  	[smem:$0x3F98] =	sst s10  }
0x38: {  	s10 =	sld [smem:$0x3F99]  }
0x39: {  	_ = 	snop;
	(pc) =	sbr.ind lr, $3  }
0x3a: {  	_ = 	snop  }
0x3b: {  	_ = 	snop  }
0x3c: {  	p2 =	seq.s32 s10, $0x1;
	s10 =	sld [smem:$0x3F98]  }
0x3d: {  	_ =	shalt  }
0x3e: {  	_ =	shalt  }
0x3f: {  	_ =	shalt  }
0x40: {  	_ =	shalt  }
0x41: {  	_ =	shalt  }
0x42: {  	_ =	shalt  }
0x43: {  	_ =	shalt  }
0x44: {  	_ =	shalt  }
0x45: {  	_ =	shalt  }
0x46: {  	_ =	shalt  }
0x47: {  	_ =	shalt  }
0x48: {  	_ =	shalt  }
0x49: {  	_ =	shalt  }
0x4a: {  	_ =	shalt  }
0x4b: {  	_ =	shalt  }
0x4c: {  	_ =	shalt  }
0x4d: {  	_ =	shalt  }
0x4e: {  	_ =	shalt  }
0x4f: {  	_ =	shalt  }
0x50: {  	_ =	shalt  }
0x51: {  	_ =	shalt  }
0x52: {  	_ =	shalt  }
0x53: {  	_ =	shalt  }
0x54: {  	_ =	shalt  }
0x55: {  	_ =	shalt  }
0x56: {  	_ =	shalt  }
0x57: {  	_ =	shalt  }
0x58: {  	_ =	shalt  }
0x59: {  	_ =	shalt  }
0x5a: {  	_ =	shalt  }
0x5b: {  	_ =	shalt  }
0x5c: {  	_ =	shalt  }
0x5d: {  	_ =	shalt  }
0x5e: {  	_ =	shalt  }
0x5f: {  	_ =	shalt  }
0x60: {  	_ =	shalt  }
0x61: {  	_ =	shalt  }
0x62: {  	_ =	shalt  }
0x63: {  	_ =	shalt  }
0x64: {  	_ =	shalt  }
0x65: {  	_ =	shalt  }
0x66: {  	_ =	shalt  }
0x67: {  	_ =	shalt  }
0x68: {  	_ =	shalt  }
0x69: {  	_ =	shalt  }
0x6a: {  	_ =	shalt  }
0x6b: {  	_ =	shalt  }
0x6c: {  	_ =	shalt  }
0x6d: {  	_ =	shalt  }
0x6e: {  	_ =	shalt  }
0x6f: {  	_ =	shalt  }
0x70: {  	_ =	shalt  }
0x71: {  	_ =	shalt  }
0x72: {  	_ =	shalt  }
0x73: {  	_ =	shalt  }
0x74: {  	_ =	shalt  }
0x75: {  	_ =	shalt  }
0x76: {  	_ =	shalt  }
0x77: {  	_ =	shalt  }
0x78: {  	_ =	shalt  }
0x79: {  	_ =	shalt  }
0x7a: {  	_ =	shalt  }
0x7b: {  	_ =	shalt  }
0x7c: {  	_ =	shalt  }
0x7d: {  	_ =	shalt  }
0x7e: {  	_ =	shalt  }
0x7f: {  	_ =	shalt  }
0x80: {  	_ =	shalt  }
0x81: {  	_ =	shalt  }
0x82: {  	_ =	shalt  }
0x83: {  	_ =	shalt  }
0x84: {  	_ =	shalt  }
0x85: {  	_ =	shalt  }
0x86: {  	_ =	shalt  }
0x87: {  	_ =	shalt  }
.Lfunc_end0:
.L_simem_size_0:
called_computation_lowered:
.L_overlay_start_0:
0x88: {  	s2 =	sld [smem:$0x3FD9]  }
0x89: {  	s3 =	sld [smem:$0x3FFE];
	_ =	sdelay $0x1  }
0x8a: {  	s1 =	srdreg.scid  }
0x8b: {  	s0 =	sand.u32 $0x1, s1  }
0x8c: {  	s16 =	sshll.u32 s0, $0xA;
	s2 =	sadd.s32 s3, s2  }
0x8d: {  	s2 =	sadd.s32 s2, s16  }
0x8e: {  	[smem:$0x3FA4] =	sst s2  }
0x8f: {  	_ = 	snop  }
0x90: {  	(tm) =	ssettm $0x1  }
0x91: {  	s17 =	sld [smem:$0x3FFB];
	_ =	sdelay $0x3  }
0x92: {  	_ =	strace s17  }
0x93: {  	s2 =	sld [smem:$0x3FFC];
	_ =	sdelay $0x3  }
0x94: {  	_ =	strace s2  }
0x95: {  	s2 =	sld [smem:$0x3FFD];
	_ =	sdelay $0x3  }
0x96: {  	_ =	strace s2  }
0x97: {  	_ =	strace $0x8FFFFFFF  }
0x98: {  	s18 =	sld [smem:$0x3FDB];
	_ =	sdelay $0x1  }
0x99: {  	s19 =	simm.s32 $_scs_section_size  }
0x9a: {  	s4 =	simm.s32 $_size__tile_overlayer_lowered;
	s5 =	simm.s32 $_tile_overlayer_lowered  }
0x9b: {  	s22 =	simm.s32 $0x1BFF;
	s21 =	sshll.u32 s5, $0x1;
	s2 =	sadd.s32 s19, s18  }
0x9c: {  	s6 =	simm.s32 $0x0;
	s20 =	sshll.u32 s4, $0x1;
	s4 =	sadd.s32 s21, s2  }
0x9d: {  	[timem:s6], [sflag:s22] =	dma.local [hbm:s4], s20  }
0x9e: {  	_ =	swait.ge [sflag:s22], s20  }
0x9f: {  	s3 =	ssub.s32 $0x0, s20;
	[sflag:s22] =	ssyncset.done $0x0  }
0xa0: {  	[sflag:s22] =	ssyncadd.s32 s3;
	_ =	sdelay $0x1  }
0xa1: {  	s23 =	simm.s32 $0x1B8B  }
0xa2: {  	_ =	swait.ge [sflag:s23], $0x1  }
0xa3: {  	[sflag:s23] =	ssyncset.done $0x0  }
0xa4: {  	s25 =	simm.s32 $0x1B8E;
	s24 =	sld [smem:$0x3FFE];
	[sflag:s23] =	ssyncadd.s32 $0xFFFFFFFF  }
0xa5: {  	s26 =	simm.s32 $execute0_lowered;
	[smem:$0x3FD2] =	sst s25  }
0xa6: {  	s4 =	sshll.u32 s26, $0x1;
	_ =	strace $0x80000046;
	[dreg:$0x1] =	wrdreg $0xFFFFFFFF  }
0xa7: {  	s28 =	simm.s32 $_size_execute0_lowered;
	s2 =	sadd.s32 s2, s4;
	[dreg:$0x0] =	wrdreg $0x0  }
0xa8: {  	s4 =	sshll.u32 s28, $0x1;
	[dreg:$0x2] =	wrdreg s2  }
0xa9: {  	[dreg:$0x3] =	wrdreg s4  }
0xaa: {  	[dreg:$0x4] =	wrdreg $0xC0  }
0xab: {  	_ =	task [dreg:s6], $0x5FFFF  }
0xac: {  	[dreg:$0x1] =	wrdreg $0xFFFFFFFF  }
0xad: {  	[dreg:$0x0] =	wrdreg $0x60  }
0xae: {  	[dreg:$0x2] =	wrdreg s24  }
0xaf: {  	[dreg:$0x3] =	wrdreg $0x9  }
0xb0: {  	_ =	task.clear_ibuf [dreg:s6], $0x4FFFF;
	_ =	strace $0x90000046  }
0xb1: {  	s29 =	simm.s32 $0x9;
	_ =	strace $0x80000048  }
0xb2: {  	_ =	swait.ge [sflag:s29], $0x1  }
0xb3: {  	[sflag:s29] =	ssyncadd.s32 $0xFFFFFFFF  }
0xb4: {  	_ =	strace $0x90000048  }
0xb5: {  	_ =	sfence  }
0xb6: {  	s30 =	sld [smem:$0x0];
	_ =	sdelay $0x2  }
0xb7: {  	s31 =	sshll.u32 s1, $0xD;
	s1 =	sshrl.u32 s1, $0x2  }
0xb8: {  	s3 =	sand.u32 $0x4000, s31;
	s1 =	sadd.s32 s1, s30  }
0xb9: {  	s0 =	sor.u32 s3, s0;
	s1 =	sshll.u32 s1, $0x11  }
0xba: {  	s0 =	sor.u32 s1, s0  }
0xbb: {  	s0 =	sadd.s32 $0x8F2B, s0  }
0xbc: {  	[sflag:s0] =	ssyncadd.remote.s32 $0x1  }
0xbd: {  	_ =	sfence.sel $0xFFFF  }
0xbe: {  	[dreg:$0x0] =	wrdreg $0xFFFFFFFF;
	(pc) =	sbr.abs _section_cstart, $3  }
0xbf: {  	[dreg:$0x1] =	wrdreg $0xFFFFFFFF  }
0xc0: {  	_ =	task.clear_ibuf [dreg:s6], $0x2FFFF;
	_ =	strace $0x9FFFFFFF  }
0xc1: {  	(tm) =	ssettm $0x7FFFFFFF  }
tec
execute0_lowered:
.L_overlay_start_1:
0x0: {  	(tag) =	ssettag $0x1  }
0x1: {  	s4 =	rddreg [dreg:$0x0]  }
0x2: {  	s0 =	rddreg [dreg:$0x1];
	s2 =	simm.s32 $0x0;
	s3 =	srdreg.scid  }
0x3: {  	s1 =	stileid.u32;
	s13 =	simm.s32 $0x80;
	s14 =	simm.s32 $0x2900  }
0x4: {  	s15 =	simm.s32 $0x1;
	s16 =	simm.s32 $0x2;
	s17 =	simm.s32 $0x0  }
0x5: {  	[smem:$0x7FF] =	sst s2;
	s7 =	sand.u32 $0x1, s3;
	s10 =	smul.u32 $0x4E20, s1  }
0x6: {  	s26 =	sshll.u32 s1, $0x1;
	s3 =	sadd.s32 $0x2CE000, s4;
	s30 =	smul.u32 $0x4E200, s1  }
0x7: {  	s9 =	sadd.s32 $0x4C00, s4;
	s8 =	sadd.s32 $0x42DA00, s4;
	s12 =	smul.u32 $0x2710, s7  }
0x8: {  	s5 =	sor.u32 s7, s26;
	s6 =	ssub.s32 $0x2, s7;
	s7 =	smul.u32 $0x27100, s7  }
0x9: {  	_ =	strace $0x80000047;
	s5 =	smul.u32 $0x2710, s5;
	s28 =	sshrl.u32 s6, $0x1  }
0xa: {  	s6 =	ssub.s32 s6, s28;
	s10 =	sadd.s32 s12, s10;
	s12 =	simm.s32 $0x100  }
0xb: {  	s29 =	sadd.s32 $0x26C0, s5;
	s6 =	smax.u32 s6, $0x1;
	s31 =	sshrl.u32 s10, $0x3  }
0xc: {  	s10 =	sadd.s32 $0x50, s10;
	s5 =	sshrl.u32 s29, $0x3;
	s11 =	sshll.u32 s29, $0x4  }
0xd: {  	s4 =	sadd.s32 s9, s5;
	s5 =	sadd.s32 s8, s11;
	s8 =	sadd.s32 s30, s8  }
0xe: {  	s10 =	sshrl.u32 s10, $0x3;
	s11 =	simm.s32 $0x50;
	s7 =	sadd.s32 s7, s8  }
0xf: {  	s8 =	sadd.s32 s31, s9;
	s9 =	sadd.s32 s10, s9;
	s10 =	simm.s32 $0x3  }
.LBB2_1:
0x10: {  	s18 =	sadd.s32 $0x0, s8  }
0x11: {  	[tilespmem:s2], [sflag:$0x3] =	stream.linear.gather [hbm4b:s18+s2], $0x50, $0x38;
	[tilespmem:$0x5100] =	vst v63  }
0x12: {  	_ =	swait.ge [sflag:s10], $0x50  }
0x13: {  	[sflag:s10] =	ssyncset.done $0x0  }
0x14: {  	[sflag:s10] =	ssyncadd.s32 $0xFFFFFFB0  }
0x15: {  	[tilespmem:s12], [sflag:$0x1] =	stream.indirect.gather [hbm4b:s3+s11], $0x80, s2, s11, $0xb8;
	[tilespmem:$0x5100] =	vst v63  }
0x16: {  	s30 =	sadd.s32 $0x0, s9  }
0x17: {  	[tilespmem:s13], [sflag:$0x3] =	stream.linear.gather [hbm4b:s30+s2], $0x50, $0x38;
	[tilespmem:$0x5100] =	vst v63  }
0x18: {  	_ =	swait.ge [sflag:s10], $0x50  }
0x19: {  	[sflag:s10] =	ssyncset.done $0x0  }
0x1a: {  	[sflag:s10] =	ssyncadd.s32 $0xFFFFFFB0  }
0x1b: {  	[tilespmem:s14], [sflag:$0x2] =	stream.indirect.gather [hbm4b:s3+s11], $0x80, s13, s11, $0xb8;
	[tilespmem:$0x5100] =	vst v63  }
0x1c: {  	_ =	swait.ge [sflag:s15], $0x2800  }
0x1d: {  	[sflag:s15] =	ssyncset.done $0x0  }
0x1e: {  	[sflag:s15] =	ssyncadd.s32 $0xFFFFD800  }
0x1f: {  	[hbm4b:s7+s2] =	stream.linear.scatter [tilespmem:s12], [sflag:$0x3], $0x2800, $0x38;
	[tilespmem:$0x5100] =	vst v63  }
0x20: {  	_ =	swait.ge [sflag:s10], $0x2800  }
0x21: {  	[sflag:s10] =	ssyncset.done $0x0  }
0x22: {  	[sflag:s10] =	ssyncadd.s32 $0xFFFFD800  }
0x23: {  	_ =	swait.ge [sflag:s16], $0x2800  }
0x24: {  	[sflag:s16] =	ssyncset.done $0x0  }
0x25: {  	s31 =	sadd.s32 $0x500, s7;
	[sflag:s16] =	ssyncadd.s32 $0xFFFFD800  }
0x26: {  	[hbm4b:s31+s2] =	stream.linear.scatter [tilespmem:s14], [sflag:$0x3], $0x2800, $0x38;
	[tilespmem:$0x5100] =	vst v63  }
0x27: {  	s19 =	simm.s32 $0x14;
	_ =	swait.ge [sflag:s10], $0x2800  }
0x28: {  	s20 =	simm.s32 $0x28;
	s18 =	sadd.s32 $0xA00, s7;
	[sflag:s10] =	ssyncset.done $0x0  }
.LBB2_2:
0x29: {  	s21 =	sadd.s32 s19, s8  }
0x2a: {  	[sflag:s10] =	ssyncadd.s32 $0xFFFFD800;
	s22 =	smov.u32 s20;
	s23 =	sadd.s32 $0x14, s20  }
0x2b: {  	[tilespmem:s2], [sflag:$0x3] =	stream.linear.gather [hbm4b:s21+s2], $0x50, $0x38;
	[tilespmem:$0x5100] =	vst v63  }
0x2c: {  	p0 =	sne.s32 s20, $0x4C4;
	_ =	swait.ge [sflag:s10], $0x50  }
0x2d: {  	[sflag:s10] =	ssyncset.done $0x0  }
0x2e: {  	[sflag:s10] =	ssyncadd.s32 $0xFFFFFFB0  }
0x2f: {  	[tilespmem:s12], [sflag:$0x1] =	stream.indirect.gather [hbm4b:s3+s11], $0x80, s2, s11, $0xb8;
	[tilespmem:$0x5100] =	vst v63  }
0x30: {  	s20 =	sadd.s32 s19, s9;
	s19 =	smov.u32 s22  }
0x31: {  	[tilespmem:s13], [sflag:$0x3] =	stream.linear.gather [hbm4b:s20+s2], $0x50, $0x38;
	[tilespmem:$0x5100] =	vst v63  }
0x32: {  	_ =	swait.ge [sflag:s10], $0x50  }
0x33: {  	[sflag:s10] =	ssyncset.done $0x0  }
0x34: {  	[sflag:s10] =	ssyncadd.s32 $0xFFFFFFB0  }
0x35: {  	[tilespmem:s14], [sflag:$0x2] =	stream.indirect.gather [hbm4b:s3+s11], $0x80, s13, s11, $0xb8;
	[tilespmem:$0x5100] =	vst v63  }
0x36: {  	_ =	swait.ge [sflag:s15], $0x2800  }
0x37: {  	[sflag:s15] =	ssyncset.done $0x0  }
0x38: {  	[sflag:s15] =	ssyncadd.s32 $0xFFFFD800  }
0x39: {  	[hbm4b:s18+s2] =	stream.linear.scatter [tilespmem:s12], [sflag:$0x3], $0x2800, $0x38;
	[tilespmem:$0x5100] =	vst v63  }
0x3a: {  	_ =	swait.ge [sflag:s10], $0x2800  }
0x3b: {  	[sflag:s10] =	ssyncset.done $0x0  }
0x3c: {  	[sflag:s10] =	ssyncadd.s32 $0xFFFFD800  }
0x3d: {  	_ =	swait.ge [sflag:s16], $0x2800  }
.Ltmp0:
0x3e: {  	[sflag:s16] =	ssyncset.done $0x0;
	(pc) =	sbr.rel @p0 .LBB2_2-.Ltmp0, $4  }
0x3f: {  	s20 =	sadd.s32 $0x500, s18;
	[sflag:s16] =	ssyncadd.s32 $0xFFFFD800  }
0x40: {  	[hbm4b:s20+s2] =	stream.linear.scatter [tilespmem:s14], [sflag:$0x3], $0x2800, $0x38;
	[tilespmem:$0x5100] =	vst v63  }
0x41: {  	_ =	swait.ge [sflag:s10], $0x2800  }
0x42: {  	s18 =	sadd.s32 $0xA00, s18;
	s20 =	smov.u32 s23;
	[sflag:s10] =	ssyncset.done $0x0  }
0x43: {  	s20 =	sadd.s32 s19, s8;
	[sflag:s10] =	ssyncadd.s32 $0xFFFFD800  }
0x44: {  	[tilespmem:s2], [sflag:$0x3] =	stream.linear.gather [hbm4b:s20+s2], $0x50, $0x38;
	[tilespmem:$0x5100] =	vst v63  }
0x45: {  	_ =	swait.ge [sflag:s10], $0x50  }
0x46: {  	[sflag:s10] =	ssyncset.done $0x0  }
0x47: {  	[sflag:s10] =	ssyncadd.s32 $0xFFFFFFB0  }
0x48: {  	[tilespmem:s12], [sflag:$0x1] =	stream.indirect.gather [hbm4b:s3+s11], $0x80, s2, s11, $0xb8;
	[tilespmem:$0x5100] =	vst v63  }
0x49: {  	s30 =	sadd.s32 s19, s9  }
0x4a: {  	[tilespmem:s13], [sflag:$0x3] =	stream.linear.gather [hbm4b:s30+s2], $0x50, $0x38;
	[tilespmem:$0x5100] =	vst v63  }
0x4b: {  	_ =	swait.ge [sflag:s10], $0x50  }
0x4c: {  	[sflag:s10] =	ssyncset.done $0x0  }
0x4d: {  	[sflag:s10] =	ssyncadd.s32 $0xFFFFFFB0  }
0x4e: {  	[tilespmem:s14], [sflag:$0x2] =	stream.indirect.gather [hbm4b:s3+s11], $0x80, s13, s11, $0xb8;
	[tilespmem:$0x5100] =	vst v63  }
0x4f: {  	_ =	swait.ge [sflag:s15], $0x2800  }
0x50: {  	[sflag:s15] =	ssyncset.done $0x0  }
0x51: {  	[sflag:s15] =	ssyncadd.s32 $0xFFFFD800  }
0x52: {  	[hbm4b:s18+s2] =	stream.linear.scatter [tilespmem:s12], [sflag:$0x3], $0x2800, $0x38;
	[tilespmem:$0x5100] =	vst v63  }
0x53: {  	_ =	swait.ge [sflag:s10], $0x2800  }
0x54: {  	[sflag:s10] =	ssyncset.done $0x0  }
0x55: {  	[sflag:s10] =	ssyncadd.s32 $0xFFFFD800  }
0x56: {  	_ =	swait.ge [sflag:s16], $0x2800  }
0x57: {  	[sflag:s16] =	ssyncset.done $0x0  }
0x58: {  	s31 =	sadd.s32 $0x500, s18;
	[sflag:s16] =	ssyncadd.s32 $0xFFFFD800  }
0x59: {  	[hbm4b:s31+s2] =	stream.linear.scatter [tilespmem:s14], [sflag:$0x3], $0x2800, $0x38;
	[tilespmem:$0x5100] =	vst v63  }
0x5a: {  	_ =	swait.ge [sflag:s10], $0x2800  }
0x5b: {  	[sflag:s10] =	ssyncset.done $0x0  }
0x5c: {  	[sflag:s10] =	ssyncadd.s32 $0xFFFFD800  }
0x5d: {  	[tilespmem:s2], [sflag:$0x3] =	stream.linear.gather [hbm4b:s4+s2], $0x50, $0x38;
	[tilespmem:$0x5100] =	vst v63  }
0x5e: {  	_ =	swait.ge [sflag:s10], $0x50  }
0x5f: {  	[sflag:s10] =	ssyncset.done $0x0  }
0x60: {  	[sflag:s10] =	ssyncadd.s32 $0xFFFFFFB0  }
0x61: {  	[tilespmem:s12], [sflag:$0x1] =	stream.indirect.gather [hbm4b:s3+s11], $0x80, s2, s11, $0xb8;
	[tilespmem:$0x5100] =	vst v63  }
0x62: {  	s17 =	sadd.s32 $0x1, s17;
	_ =	swait.ge [sflag:s15], $0x2800  }
0x63: {  	p0 =	sne.s32 s17, s6;
	[sflag:s15] =	ssyncset.done $0x0  }
.Ltmp1:
0x64: {  	[sflag:s15] =	ssyncadd.s32 $0xFFFFD800;
	(pc) =	sbr.rel @p0 .LBB2_1-.Ltmp1, $4  }
0x65: {  	[hbm4b:s5+s2] =	stream.linear.scatter [tilespmem:s12], [sflag:$0x3], $0x2800, $0x38;
	[tilespmem:$0x5100] =	vst v63  }
0x66: {  	_ =	swait.ge [sflag:s10], $0x2800  }
0x67: {  	[sflag:s10] =	ssyncset.done $0x0  }
0x68: {  	[sflag:s10] =	ssyncadd.s32 $0xFFFFD800  }
0x69: {  	_ =	sfence.sel $0x180000  }
0x6a: {  	[bflag:$0x0] =	sbarrier.arrive $0xFFFF  }
0x6b: {  	p0 =	sne.s32 s1, $0x0;
	_ =	strace $0x90000047  }
0x6c: {  	s0 =	sadd.s32 @!p0 $0x100000, s0;
	[bflag:$0x2] =	sbarrier.arrive $0xFFFF  }
0x6d: {  	[sflag:s0] =	ssyncadd.tile.s32 @!p0 $0x1;
	_ =	shalt  }
.Lfunc_end2:
_tile_overlayer_lowered:
.L_overlay_start_2:
0x6e: {  	(tag) =	ssettag $0x2  }
0x6f: {  	s0 =	rddreg [dreg:$0x0];
	s2 =	stileid.u32  }
0x70: {  	s1 =	rddreg [dreg:$0x1];
	p0 =	sne.s32 s2, $0x0  }
0x71: {  	s3 =	rddreg [dreg:$0x2];
	[bflag:$0x3] =	sbarrier.arrive $0xFFFF;
	s2 =	simm.s32 @!p0 $0x1C03  }
0x72: {  	[timem:s3], [sflag:s2] =	dma.local @!p0 [hbm:s0], s1  }
0x73: {  	s0 =	simm.s32 @!p0 $0x3  }
0x74: {  	_ =	swait.ge @!p0 [sflag:s0], s1  }
0x75: {  	s1 =	ssub.s32 @!p0 $0x0, s1;
	[sflag:s0] =	ssyncset.done @!p0 $0x0  }
0x76: {  	[sflag:s0] =	ssyncadd.s32 @!p0 s1  }
0x77: {  	[bflag:$0x3] =	sbarrier.arrive $0xFFFF  }
0x78: {  	_ =	shalt  }

</sc_bundles>
